<compile_context>
chip_gen: v7x
topology: tpu7x:2x2x1
jax: 0.10.2.dev20260603
libtpu: 0.0.44.dev20260713+nightly
codegen_flags: <defaults>
</compile_context>

<pallas_src>
import functools

import jax
import jax.numpy as jnp
from jax import lax
from jax.experimental import pallas as pl
from jax.experimental.pallas import tpu as pltpu
from jax.experimental.pallas import tpu_sc as plsc

N = 10000
E = 320000
NFEAT = 128
NHID = 128
NCLASS = 64

NC = 2
NS = 16
NW = NC * NS
EPW = E // NW
CHUNK = 80
NCHUNKS = EPW // CHUNK
ROWS_MAIN = 640
ROWS_LAST = N - (NS - 1) * ROWS_MAIN
RB = 80


def _make_spmm(F, from_spmem=False, feature_split=False):
    mesh = plsc.VectorSubcoreMesh(
        core_axis_name="c", subcore_axis_name="s", num_cores=NC, num_subcores=NS)

    nchunks = (E // CHUNK) // NS if feature_split else NCHUNKS

    scratch = [
        pltpu.VMEM((nchunks, CHUNK), jnp.int32),
        pltpu.VMEM((nchunks, CHUNK), jnp.int32),
        pltpu.VMEM((CHUNK, F), jnp.float32),
        pltpu.VMEM((CHUNK, F), jnp.float32),
        pltpu.VMEM((RB, F), jnp.float32),
        pltpu.VMEM_SHARED((N, F), jnp.float32),
        pltpu.SemaphoreType.DMA,
        pltpu.SemaphoreType.DMA,
        pltpu.SemaphoreType.DMA,
        pltpu.SemaphoreType.DMA,
    ]
    if from_spmem:
        scratch.append(pltpu.VMEM_SHARED((N, F), jnp.float32))

    @functools.partial(
        pl.kernel,
        out_type=jax.ShapeDtypeStruct((NC, N, F), jnp.float32),
        mesh=mesh,
        scratch_types=scratch,
        compiler_params=pltpu.CompilerParams(use_tc_tiling_on_sc=False),
    )
    def spmm(*args):
        if feature_split:
            (sup_a_hbm, sup_b_hbm, src_hbm, dst_hbm, out_hbm,
             src_v, dst_v, buf0, buf1, zbuf_v, acc_s,
             gs0, gs1, ss0, ss1, sup_s) = args
            support_hbm = None
        else:
            (support_hbm, src_hbm, dst_hbm, out_hbm,
             src_v, dst_v, buf0, buf1, zbuf_v, acc_s,
             gs0, gs1, ss0, ss1, *maybe_sup) = args
            sup_s = maybe_sup[0] if from_spmem else None
        bufs = (buf0, buf1)
        gsems = (gs0, gs1)
        ssems = (ss0, ss1)
        cid = lax.axis_index("c")
        sid = lax.axis_index("s")
        wid = cid * NS + sid

        zvec = jnp.zeros((16,), jnp.float32)

        def zrow(i, carry):
            for j in range(F // 16):
                zbuf_v[i, pl.ds(j * 16, 16)] = zvec
            return carry
        lax.fori_loop(0, RB, zrow, 0)

        row0 = sid * ROWS_MAIN
        nz = jnp.where(sid == NS - 1, ROWS_LAST // RB, ROWS_MAIN // RB)

        def zchunk(k, carry):
            pltpu.sync_copy(zbuf_v, acc_s.at[pl.ds(row0 + k * RB, RB)])
            return carry
        lax.fori_loop(0, nz, zchunk, 0)

        slab = (sid if feature_split else wid) * nchunks
        pltpu.sync_copy(src_hbm.at[pl.ds(slab, nchunks)], src_v)
        pltpu.sync_copy(dst_hbm.at[pl.ds(slab, nchunks)], dst_v)

        if from_spmem:
            def schunk(k, carry):
                r = row0 + k * RB
                if feature_split:
                    @pl.when(cid == 0)
                    def _():
                        pltpu.sync_copy(sup_a_hbm.at[pl.ds(r, RB)],
                                        sup_s.at[pl.ds(r, RB)])

                    @pl.when(cid == 1)
                    def _():
                        pltpu.sync_copy(sup_b_hbm.at[pl.ds(r, RB)],
                                        sup_s.at[pl.ds(r, RB)])
                else:
                    pltpu.sync_copy(support_hbm.at[pl.ds(r, RB)],
                                    sup_s.at[pl.ds(r, RB)])
                return carry
            lax.fori_loop(0, nz, schunk, 0)
        gsrc = sup_s if from_spmem else support_hbm

        NB, LA = 2, 1

        def gstart(t, b):
            pltpu.async_copy(gsrc.at[src_v.at[t]], bufs[b], gsems[b])

        def gwait(t, b):
            pltpu.make_async_copy(
                gsrc.at[src_v.at[t]], bufs[b], gsems[b]).wait()

        def sstart(t, b):
            pltpu.async_copy(bufs[b], acc_s.at[dst_v.at[t]], ssems[b], add=True)

        def swait(t, b):
            pltpu.make_async_copy(
                bufs[b], acc_s.at[dst_v.at[t]], ssems[b]).wait()

        if not from_spmem:
            for t0 in range(LA):
                gstart(t0, t0)
        plsc.subcore_barrier()
        if from_spmem:
            for t0 in range(LA):
                gstart(t0, t0)

        def body(t, carry):
            for b in range(NB):
                @pl.when(lax.rem(t, NB) == b)
                def _():
                    gwait(t, b)
                    sstart(t, b)
                    b2 = (b + LA) % NB

                    @pl.when(t + LA < nchunks)
                    def _():
                        @pl.when(t >= NB - LA)
                        def _():
                            swait(t - (NB - LA), b2)
                        gstart(t + LA, b2)
            return carry
        lax.fori_loop(0, nchunks, body, 0)

        for tf in range(nchunks - NB, nchunks):
            swait(tf, tf % NB)

        plsc.subcore_barrier()

        def wchunk(k, carry):
            r = row0 + k * RB
            pltpu.sync_copy(acc_s.at[pl.ds(r, RB)], out_hbm.at[cid, pl.ds(r, RB)])
            return carry
        lax.fori_loop(0, nz, wchunk, 0)

    return spmm


_spmm_h = _make_spmm(NHID)
_spmm_c = _make_spmm(NCLASS, from_spmem=True)



_BR = 1000


def _fuse_body(p_ref, w1_ref, b_ref, w2_ref, o_ref):
    agg = p_ref[0] + p_ref[1]
    h = jnp.maximum(
        jnp.dot(agg, w1_ref[...], preferred_element_type=jnp.float32)
        + b_ref[...], 0.0)
    o_ref[...] = jnp.dot(h, w2_ref[...], preferred_element_type=jnp.float32)


def _fuse1(parts, w1, b, w2):
    return pl.pallas_call(
        _fuse_body,
        grid=(N // _BR,),
        in_specs=[pl.BlockSpec((NC, _BR, NFEAT), lambda i: (0, i, 0)),
                  pl.BlockSpec((NFEAT, NHID), lambda i: (0, 0)),
                  pl.BlockSpec((1, NHID), lambda i: (0, 0)),
                  pl.BlockSpec((NHID, NCLASS), lambda i: (0, 0))],
        out_specs=pl.BlockSpec((_BR, NCLASS), lambda i: (i, 0)),
        out_shape=jax.ShapeDtypeStruct((N, NCLASS), jnp.float32),
    )(parts, w1, b, w2)


def _lsm_body(p_ref, b_ref, o_ref):
    z = p_ref[0] + p_ref[1] + b_ref[...]
    m = jnp.max(z, axis=1, keepdims=True)
    e = jnp.exp(z - m)
    s = jnp.sum(e, axis=1, keepdims=True)
    o_ref[...] = z - m - jnp.log(s)


def _lsm(parts, b):
    return pl.pallas_call(
        _lsm_body,
        grid=(N // _BR,),
        in_specs=[pl.BlockSpec((NC, _BR, NCLASS), lambda i: (0, i, 0)),
                  pl.BlockSpec((1, NCLASS), lambda i: (0, 0))],
        out_specs=pl.BlockSpec((_BR, NCLASS), lambda i: (i, 0)),
        out_shape=jax.ShapeDtypeStruct((N, NCLASS), jnp.float32),
    )(parts, b)


def kernel(raw_x, edge_index, W1, b1, W2, b2):
    src = edge_index[0].reshape(E // CHUNK, CHUNK)
    dst = edge_index[1].reshape(E // CHUNK, CHUNK)
    parts1 = _spmm_h(raw_x, src, dst)
    support2 = _fuse1(parts1, W1, b1.reshape(1, NHID), W2)
    parts2 = _spmm_c(support2, src, dst)
    return _lsm(parts2, b2.reshape(1, NCLASS))

# --- scband reference (transcript-rebuilt; emitter-appended) ---
"""Pipeline reference for scband-method-gcn-39616778338353 (READ-ONLY COPY).

The authoritative reference and input builder live on the scoring server;
editing this copy changes nothing except your own understanding.
"""

import jax, jax.numpy as jnp
import numpy as np

N = 10000
E = 320000
NFEAT = 128
NHID = 128
NCLASS = 64

def setup_inputs(seed: int = 0) -> dict:
    key = jax.random.key(seed)
    k1, k2, k3, k4, k5, k6 = jax.random.split(key, 6)
    x = jax.random.normal(k1, (N, NFEAT), dtype=jnp.float32)
    edge_index = jax.random.randint(k2, (2, E), 0, N, dtype=jnp.int32)
    # GraphConvolution parameters, uniform init as in Kipf's GCN reference impl
    s1 = 1.0 / np.sqrt(NHID)
    W1 = jax.random.uniform(k3, (NFEAT, NHID), minval=-s1, maxval=s1, dtype=jnp.float32)
    b1 = jax.random.uniform(k4, (NHID,), minval=-s1, maxval=s1, dtype=jnp.float32)
    s2 = 1.0 / np.sqrt(NCLASS)
    W2 = jax.random.uniform(k5, (NHID, NCLASS), minval=-s2, maxval=s2, dtype=jnp.float32)
    b2 = jax.random.uniform(k6, (NCLASS,), minval=-s2, maxval=s2, dtype=jnp.float32)
    return {"raw_x": x, "edge_index": edge_index, "W1": W1, "b1": b1, "W2": W2, "b2": b2}

def _gcn_layer(x, edge_index, W, b):
    # GraphConvolution: support = x @ W ; out = spmm(adj, support) + b
    # adj represented as edge list (src -> dst), unit edge weights
    support = x @ W
    src = edge_index[0]
    dst = edge_index[1]
    agg = jax.ops.segment_sum(support[src], dst, num_segments=x.shape[0])
    return agg + b

def reference(raw_x, edge_index, W1, b1, W2, b2):
    h = jax.nn.relu(_gcn_layer(raw_x, edge_index, W1, b1))
    # F.dropout with training=False is identity (eval mode)
    h2 = _gcn_layer(h, edge_index, W2, b2)
    pred_y = jax.nn.log_softmax(h2, axis=1)
    return pred_y

if __name__ == "__main__":
    import jax
    _d = setup_inputs()
    print(jax.jit(kernel)(*tuple(_d.values())))

</pallas_src>

<mosaic_0001>
#map = affine_map<(d0, d1) -> (0, 0)>
#map1 = affine_map<(d0, d1) -> (0, 0, 0)>
module attributes {stable_mosaic.version = 14 : i64} {
  func.func @spmm(%arg0: i32, %arg1: i32, %arg2: memref<10000x128xf32, #tpu.memory_space<hbm>>, %arg3: memref<4000x80xi32, #tpu.memory_space<hbm>>, %arg4: memref<4000x80xi32, #tpu.memory_space<hbm>>, %arg5: memref<2x10000x128xf32, #tpu.memory_space<hbm>>, %arg6: memref<125x80xi32, #tpu.memory_space<vmem>>, %arg7: memref<125x80xi32, #tpu.memory_space<vmem>>, %arg8: memref<80x128xf32, #tpu.memory_space<vmem>>, %arg9: memref<80x128xf32, #tpu.memory_space<vmem>>, %arg10: memref<80x128xf32, #tpu.memory_space<vmem>>, %arg11: memref<10000x128xf32, #tpu.memory_space<vmem_shared>>, %arg12: memref<!tpu.dma_semaphore, #tpu.memory_space<semaphore_mem>>, %arg13: memref<!tpu.dma_semaphore, #tpu.memory_space<semaphore_mem>>, %arg14: memref<!tpu.dma_semaphore, #tpu.memory_space<semaphore_mem>>, %arg15: memref<!tpu.dma_semaphore, #tpu.memory_space<semaphore_mem>>) attributes {dimension_semantics = [#tpu.dimension_semantics<core_parallel>, #tpu.dimension_semantics<subcore_parallel>], iteration_bounds = array<i64: 2, 16>, scalar_prefetch = 0 : i64, scratch_operands = 10 : i64, tpu.core_type = #tpu.core_type<sc_vector_subcore>, window_params = [{transform_indices = #map}, {transform_indices = #map}, {transform_indices = #map}, {transform_indices = #map1}]} {
    %mul3A = arith.constant 16 : i32
    %mul3A_0 = arith.muli %arg0, %mul3A : i32
    %add3A = arith.addi %mul3A_0, %arg1 : i32
    %broadcast_in_dim3A = arith.constant 0.000000e+00 : f32
    %broadcast_in_dim3A_1 = vector.broadcast %broadcast_in_dim3A : f32 to vector<16xf32>
    %scan3A = arith.constant 0 : i32
    %scan3A_2 = arith.constant 0 : i32
    %scan3A_3 = arith.constant 80 : i32
    %scan3A_4 = arith.addi %scan3A_2, %scan3A_3 : i32
    %scan3A_5 = arith.constant 1 : i32
    scf.for %scan3A_58 = %scan3A_2 to %scan3A_4 step %scan3A_5  : i32 {
      %swap3A = arith.index_cast %scan3A_58 : i32 to index
      %swap3A_59 = arith.constant 0 : index
      %swap3A_60 = tpu.vector_load %arg10[%swap3A, %swap3A_59] {strides = array<i32>} : memref<80x128xf32, #tpu.memory_space<vmem>>, vector<1x16xf32>,
      %swap3A_61 = vector.shape_cast %swap3A_60 : vector<1x16xf32> to vector<16xf32>
      %swap3A_62 = vector.shape_cast %broadcast_in_dim3A_1 : vector<16xf32> to vector<1x16xf32>
      tpu.vector_store %arg10[%swap3A, %swap3A_59], %swap3A_62 {strides = array<i32>} : memref<80x128xf32, #tpu.memory_space<vmem>>, vector<1x16xf32>,
      %swap3A_63 = arith.index_cast %scan3A_58 : i32 to index
      %swap3A_64 = arith.constant 16 : index
      %swap3A_65 = tpu.vector_load %arg10[%swap3A_63, %swap3A_64] {strides = array<i32>} : memref<80x128xf32, #tpu.memory_space<vmem>>, vector<1x16xf32>,
      %swap3A_66 = vector.shape_cast %swap3A_65 : vector<1x16xf32> to vector<16xf32>
      %swap3A_67 = vector.shape_cast %broadcast_in_dim3A_1 : vector<16xf32> to vector<1x16xf32>
      tpu.vector_store %arg10[%swap3A_63, %swap3A_64], %swap3A_67 {strides = array<i32>} : memref<80x128xf32, #tpu.memory_space<vmem>>, vector<1x16xf32>,
      %swap3A_68 = arith.index_cast %scan3A_58 : i32 to index
      %swap3A_69 = arith.constant 32 : index
      %swap3A_70 = tpu.vector_load %arg10[%swap3A_68, %swap3A_69] {strides = array<i32>} : memref<80x128xf32, #tpu.memory_space<vmem>>, vector<1x16xf32>,
      %swap3A_71 = vector.shape_cast %swap3A_70 : vector<1x16xf32> to vector<16xf32>
      %swap3A_72 = vector.shape_cast %broadcast_in_dim3A_1 : vector<16xf32> to vector<1x16xf32>
      tpu.vector_store %arg10[%swap3A_68, %swap3A_69], %swap3A_72 {strides = array<i32>} : memref<80x128xf32, #tpu.memory_space<vmem>>, vector<1x16xf32>,
      %swap3A_73 = arith.index_cast %scan3A_58 : i32 to index
      %swap3A_74 = arith.constant 48 : index
      %swap3A_75 = tpu.vector_load %arg10[%swap3A_73, %swap3A_74] {strides = array<i32>} : memref<80x128xf32, #tpu.memory_space<vmem>>, vector<1x16xf32>,
      %swap3A_76 = vector.shape_cast %swap3A_75 : vector<1x16xf32> to vector<16xf32>
      %swap3A_77 = vector.shape_cast %broadcast_in_dim3A_1 : vector<16xf32> to vector<1x16xf32>
      tpu.vector_store %arg10[%swap3A_73, %swap3A_74], %swap3A_77 {strides = array<i32>} : memref<80x128xf32, #tpu.memory_space<vmem>>, vector<1x16xf32>,
      %swap3A_78 = arith.index_cast %scan3A_58 : i32 to index
      %swap3A_79 = arith.constant 64 : index
      %swap3A_80 = tpu.vector_load %arg10[%swap3A_78, %swap3A_79] {strides = array<i32>} : memref<80x128xf32, #tpu.memory_space<vmem>>, vector<1x16xf32>,
      %swap3A_81 = vector.shape_cast %swap3A_80 : vector<1x16xf32> to vector<16xf32>
      %swap3A_82 = vector.shape_cast %broadcast_in_dim3A_1 : vector<16xf32> to vector<1x16xf32>
      tpu.vector_store %arg10[%swap3A_78, %swap3A_79], %swap3A_82 {strides = array<i32>} : memref<80x128xf32, #tpu.memory_space<vmem>>, vector<1x16xf32>,
      %swap3A_83 = arith.index_cast %scan3A_58 : i32 to index
      %swap3A_84 = arith.constant 80 : index
      %swap3A_85 = tpu.vector_load %arg10[%swap3A_83, %swap3A_84] {strides = array<i32>} : memref<80x128xf32, #tpu.memory_space<vmem>>, vector<1x16xf32>,
      %swap3A_86 = vector.shape_cast %swap3A_85 : vector<1x16xf32> to vector<16xf32>
      %swap3A_87 = vector.shape_cast %broadcast_in_dim3A_1 : vector<16xf32> to vector<1x16xf32>
      tpu.vector_store %arg10[%swap3A_83, %swap3A_84], %swap3A_87 {strides = array<i32>} : memref<80x128xf32, #tpu.memory_space<vmem>>, vector<1x16xf32>,
      %swap3A_88 = arith.index_cast %scan3A_58 : i32 to index
      %swap3A_89 = arith.constant 96 : index
      %swap3A_90 = tpu.vector_load %arg10[%swap3A_88, %swap3A_89] {strides = array<i32>} : memref<80x128xf32, #tpu.memory_space<vmem>>, vector<1x16xf32>,
      %swap3A_91 = vector.shape_cast %swap3A_90 : vector<1x16xf32> to vector<16xf32>
      %swap3A_92 = vector.shape_cast %broadcast_in_dim3A_1 : vector<16xf32> to vector<1x16xf32>
      tpu.vector_store %arg10[%swap3A_88, %swap3A_89], %swap3A_92 {strides = array<i32>} : memref<80x128xf32, #tpu.memory_space<vmem>>, vector<1x16xf32>,
      %swap3A_93 = arith.index_cast %scan3A_58 : i32 to index
      %swap3A_94 = arith.constant 112 : index
      %swap3A_95 = tpu.vector_load %arg10[%swap3A_93, %swap3A_94] {strides = array<i32>} : memref<80x128xf32, #tpu.memory_space<vmem>>, vector<1x16xf32>,
      %swap3A_96 = vector.shape_cast %swap3A_95 : vector<1x16xf32> to vector<16xf32>
      %swap3A_97 = vector.shape_cast %broadcast_in_dim3A_1 : vector<16xf32> to vector<1x16xf32>
      tpu.vector_store %arg10[%swap3A_93, %swap3A_94], %swap3A_97 {strides = array<i32>} : memref<80x128xf32, #tpu.memory_space<vmem>>, vector<1x16xf32>,
    }
    %scan3A_6 = arith.constant 80 : i32
    %mul3A_7 = arith.constant 640 : i32
    %mul3A_8 = arith.muli %arg1, %mul3A_7 : i32
    %eq3A = arith.constant 15 : i32
    %eq3A_9 = arith.cmpi eq, %arg1, %eq3A : i32
    %jit3A = arith.constant 5 : i32
    %jit3A_10 = arith.constant 8 : i32
    %select_n3A = arith.select %eq3A_9, %jit3A, %jit3A_10 : i32
    %while3A = arith.constant 0 : i32
    %while3A_11 = arith.constant 0 : i32
    %while3A_12 = arith.subi %select_n3A, %while3A_11 : i32
    %while3A_13 = arith.addi %while3A_11, %while3A_12 : i32
    %while3A_14 = arith.constant 1 : i32
    %while3A_15 = arith.divsi %while3A_12, %while3A_14 : i32
    %while3A_16 = arith.muli %while3A_15, %while3A_14 : i32
    %while3A_17 = arith.addi %while3A_11, %while3A_16 : i32
    %while3A_18 = arith.constant 1 : i32
    scf.for %while3A_58 = %while3A_11 to %while3A_17 step %while3A_18  : i32 {
      %mul3A_59 = arith.constant 80 : i32
      %mul3A_60 = arith.muli %while3A_58, %mul3A_59 : i32
      %add3A_61 = arith.addi %mul3A_8, %mul3A_60 : i32
      "tpu.region"() ({
        %run_scoped3A = tpu.sem_alloc : memref<!tpu.dma_semaphore, #tpu.memory_space<semaphore_mem>>
        %dma_start3A_62 = arith.constant 0 : i32
        %dma_start3A_63 = tpu.memref_slice %arg11[%add3A_61, %dma_start3A_62] : memref<10000x128xf32, #tpu.memory_space<vmem_shared>> -> memref<80x128xf32, #tpu.memory_space<vmem_shared>>
        %dma_start3A_64 = arith.constant 0 : i32
        %dma_start3A_65 = tpu.memref_slice %arg11[%add3A_61, %dma_start3A_64] : memref<10000x128xf32, #tpu.memory_space<vmem_shared>> -> memref<80x128xf32, #tpu.memory_space<vmem_shared>>
        tpu.enqueue_dma source(%arg10 : memref<80x128xf32, #tpu.memory_space<vmem>>) target(%dma_start3A_65 : memref<80x128xf32, #tpu.memory_space<vmem_shared>>) target_semaphore(%run_scoped3A : memref<!tpu.dma_semaphore, #tpu.memory_space<semaphore_mem>>)
        %dma_wait3A_66 = arith.constant 0 : i32
        %dma_wait3A_67 = tpu.memref_slice %arg11[%add3A_61, %dma_wait3A_66] : memref<10000x128xf32, #tpu.memory_space<vmem_shared>> -> memref<80x128xf32, #tpu.memory_space<vmem_shared>>
        %dma_wait3A_68 = arith.constant 0 : i32
        %dma_wait3A_69 = tpu.memref_slice %arg11[%add3A_61, %dma_wait3A_68] : memref<10000x128xf32, #tpu.memory_space<vmem_shared>> -> memref<80x128xf32, #tpu.memory_space<vmem_shared>>
        tpu.wait_dma2 semaphore(%run_scoped3A : memref<!tpu.dma_semaphore, #tpu.memory_space<semaphore_mem>>) src(%arg10 : memref<80x128xf32, #tpu.memory_space<vmem>>) dst(%dma_wait3A_69 : memref<80x128xf32, #tpu.memory_space<vmem_shared>>)
        tpu.yield
      }) : () -> ()
    }
    %while3A_19 = arith.constant 1 : i32
    scf.for %while3A_58 = %while3A_17 to %while3A_13 step %while3A_19  : i32 {
      %mul3A_59 = arith.constant 80 : i32
      %mul3A_60 = arith.muli %while3A_58, %mul3A_59 : i32
      %add3A_61 = arith.addi %mul3A_8, %mul3A_60 : i32
      "tpu.region"() ({
        %run_scoped3A = tpu.sem_alloc : memref<!tpu.dma_semaphore, #tpu.memory_space<semaphore_mem>>
        %dma_start3A_62 = arith.constant 0 : i32
        %dma_start3A_63 = tpu.memref_slice %arg11[%add3A_61, %dma_start3A_62] : memref<10000x128xf32, #tpu.memory_space<vmem_shared>> -> memref<80x128xf32, #tpu.memory_space<vmem_shared>>
        %dma_start3A_64 = arith.constant 0 : i32
        %dma_start3A_65 = tpu.memref_slice %arg11[%add3A_61, %dma_start3A_64] : memref<10000x128xf32, #tpu.memory_space<vmem_shared>> -> memref<80x128xf32, #tpu.memory_space<vmem_shared>>
        tpu.enqueue_dma source(%arg10 : memref<80x128xf32, #tpu.memory_space<vmem>>) target(%dma_start3A_65 : memref<80x128xf32, #tpu.memory_space<vmem_shared>>) target_semaphore(%run_scoped3A : memref<!tpu.dma_semaphore, #tpu.memory_space<semaphore_mem>>)
        %dma_wait3A_66 = arith.constant 0 : i32
        %dma_wait3A_67 = tpu.memref_slice %arg11[%add3A_61, %dma_wait3A_66] : memref<10000x128xf32, #tpu.memory_space<vmem_shared>> -> memref<80x128xf32, #tpu.memory_space<vmem_shared>>
        %dma_wait3A_68 = arith.constant 0 : i32
        %dma_wait3A_69 = tpu.memref_slice %arg11[%add3A_61, %dma_wait3A_68] : memref<10000x128xf32, #tpu.memory_space<vmem_shared>> -> memref<80x128xf32, #tpu.memory_space<vmem_shared>>
        tpu.wait_dma2 semaphore(%run_scoped3A : memref<!tpu.dma_semaphore, #tpu.memory_space<semaphore_mem>>) src(%arg10 : memref<80x128xf32, #tpu.memory_space<vmem>>) dst(%dma_wait3A_69 : memref<80x128xf32, #tpu.memory_space<vmem_shared>>)
        tpu.yield
      }) : () -> ()
    }
    %mul3A_20 = arith.constant 125 : i32
    %mul3A_21 = arith.muli %add3A, %mul3A_20 : i32
    "tpu.region"() ({
      %run_scoped3A = tpu.sem_alloc : memref<!tpu.dma_semaphore, #tpu.memory_space<semaphore_mem>>
      %dma_start3A_58 = arith.constant 0 : i32
      %dma_start3A_59 = tpu.memref_slice %arg3[%mul3A_21, %dma_start3A_58] : memref<4000x80xi32, #tpu.memory_space<hbm>> -> memref<125x80xi32, #tpu.memory_space<hbm>>
      %dma_start3A_60 = arith.constant 0 : i32
      %dma_start3A_61 = tpu.memref_slice %arg3[%mul3A_21, %dma_start3A_60] : memref<4000x80xi32, #tpu.memory_space<hbm>> -> memref<125x80xi32, #tpu.memory_space<hbm>>
      tpu.enqueue_dma source(%dma_start3A_61 : memref<125x80xi32, #tpu.memory_space<hbm>>) target(%arg6 : memref<125x80xi32, #tpu.memory_space<vmem>>) target_semaphore(%run_scoped3A : memref<!tpu.dma_semaphore, #tpu.memory_space<semaphore_mem>>)
      %dma_wait3A_62 = arith.constant 0 : i32
      %dma_wait3A_63 = tpu.memref_slice %arg3[%mul3A_21, %dma_wait3A_62] : memref<4000x80xi32, #tpu.memory_space<hbm>> -> memref<125x80xi32, #tpu.memory_space<hbm>>
      %dma_wait3A_64 = arith.constant 0 : i32
      %dma_wait3A_65 = tpu.memref_slice %arg3[%mul3A_21, %dma_wait3A_64] : memref<4000x80xi32, #tpu.memory_space<hbm>> -> memref<125x80xi32, #tpu.memory_space<hbm>>
      tpu.wait_dma2 semaphore(%run_scoped3A : memref<!tpu.dma_semaphore, #tpu.memory_space<semaphore_mem>>) src(%dma_wait3A_65 : memref<125x80xi32, #tpu.memory_space<hbm>>) dst(%arg6 : memref<125x80xi32, #tpu.memory_space<vmem>>)
      tpu.yield
    }) : () -> ()
    "tpu.region"() ({
      %run_scoped3A = tpu.sem_alloc : memref<!tpu.dma_semaphore, #tpu.memory_space<semaphore_mem>>
      %dma_start3A_58 = arith.constant 0 : i32
      %dma_start3A_59 = tpu.memref_slice %arg4[%mul3A_21, %dma_start3A_58] : memref<4000x80xi32, #tpu.memory_space<hbm>> -> memref<125x80xi32, #tpu.memory_space<hbm>>
      %dma_start3A_60 = arith.constant 0 : i32
      %dma_start3A_61 = tpu.memref_slice %arg4[%mul3A_21, %dma_start3A_60] : memref<4000x80xi32, #tpu.memory_space<hbm>> -> memref<125x80xi32, #tpu.memory_space<hbm>>
      tpu.enqueue_dma source(%dma_start3A_61 : memref<125x80xi32, #tpu.memory_space<hbm>>) target(%arg7 : memref<125x80xi32, #tpu.memory_space<vmem>>) target_semaphore(%run_scoped3A : memref<!tpu.dma_semaphore, #tpu.memory_space<semaphore_mem>>)
      %dma_wait3A_62 = arith.constant 0 : i32
      %dma_wait3A_63 = tpu.memref_slice %arg4[%mul3A_21, %dma_wait3A_62] : memref<4000x80xi32, #tpu.memory_space<hbm>> -> memref<125x80xi32, #tpu.memory_space<hbm>>
      %dma_wait3A_64 = arith.constant 0 : i32
      %dma_wait3A_65 = tpu.memref_slice %arg4[%mul3A_21, %dma_wait3A_64] : memref<4000x80xi32, #tpu.memory_space<hbm>> -> memref<125x80xi32, #tpu.memory_space<hbm>>
      tpu.wait_dma2 semaphore(%run_scoped3A : memref<!tpu.dma_semaphore, #tpu.memory_space<semaphore_mem>>) src(%dma_wait3A_65 : memref<125x80xi32, #tpu.memory_space<hbm>>) dst(%arg7 : memref<125x80xi32, #tpu.memory_space<vmem>>)
      tpu.yield
    }) : () -> ()
    %dma_start3A = arith.constant 0 : i32
    %dma_start3A_22 = arith.constant 0 : i32
    %dma_start3A_23 = tpu.memref_slice %arg6[%dma_start3A, %dma_start3A_22] : memref<125x80xi32, #tpu.memory_space<vmem>> -> memref<1x80xi32, #tpu.memory_space<vmem>>
    %dma_start3A_24 = tpu.memref_squeeze %dma_start3A_23 : memref<1x80xi32, #tpu.memory_space<vmem>> -> memref<80xi32, #tpu.memory_space<vmem>>
    %dma_start3A_25 = arith.constant 0 : i32
    %dma_start3A_26 = arith.constant 0 : i32
    %dma_start3A_27 = tpu.memref_slice %arg2[%dma_start3A_25, %dma_start3A_26] : memref<10000x128xf32, #tpu.memory_space<hbm>> -> memref<10000x128xf32, #tpu.memory_space<hbm>>
    tpu.enqueue_indirect_dma source(%dma_start3A_27 : memref<10000x128xf32, #tpu.memory_space<hbm>>) target(%arg8 : memref<80x128xf32, #tpu.memory_space<vmem>>) offsets(%dma_start3A_24 : memref<80xi32, #tpu.memory_space<vmem>>) semaphore(%arg12 : memref<!tpu.dma_semaphore, #tpu.memory_space<semaphore_mem>>)
    %barrier3A = arith.constant 0 : index
    tpu.barrier barrier_id(%barrier3A)
    %scan3A_28 = arith.constant 0 : i32
    %scan3A_29 = arith.constant 0 : i32
    %scan3A_30 = arith.constant 125 : i32
    %scan3A_31 = arith.addi %scan3A_29, %scan3A_30 : i32
    %scan3A_32 = arith.constant 1 : i32
    scf.for %scan3A_58 = %scan3A_29 to %scan3A_31 step %scan3A_32  : i32 {
      %rem3A = arith.constant 2 : i32
      %rem3A_59 = arith.remsi %scan3A_58, %rem3A : i32
      %eq3A_60 = arith.constant 0 : i32
      %eq3A_61 = arith.cmpi eq, %rem3A_59, %eq3A_60 : i32
      %convert_element_type3A = arith.extui %eq3A_61 : i1 to i32
      %cond3A = arith.constant 0 : i32
      %cond3A_62 = arith.cmpi ne, %convert_element_type3A, %cond3A : i32
      scf.if %cond3A_62 {
        %dma_wait3A_70 = arith.constant 0 : i32
        %dma_wait3A_71 = tpu.memref_slice %arg6[%scan3A_58, %dma_wait3A_70] : memref<125x80xi32, #tpu.memory_space<vmem>> -> memref<1x80xi32, #tpu.memory_space<vmem>>
        %dma_wait3A_72 = tpu.memref_squeeze %dma_wait3A_71 : memref<1x80xi32, #tpu.memory_space<vmem>> -> memref<80xi32, #tpu.memory_space<vmem>>
        %dma_wait3A_73 = arith.constant 0 : i32
        %dma_wait3A_74 = arith.constant 0 : i32
        %dma_wait3A_75 = tpu.memref_slice %arg2[%dma_wait3A_73, %dma_wait3A_74] : memref<10000x128xf32, #tpu.memory_space<hbm>> -> memref<10000x128xf32, #tpu.memory_space<hbm>>
        tpu.wait_indirect_dma semaphore(%arg12 : memref<!tpu.dma_semaphore, #tpu.memory_space<semaphore_mem>>) src(%dma_wait3A_75 : memref<10000x128xf32, #tpu.memory_space<hbm>>) dst(%arg8 : memref<80x128xf32, #tpu.memory_space<vmem>>)
        %dma_start3A_76 = arith.constant 0 : i32
        %dma_start3A_77 = tpu.memref_slice %arg7[%scan3A_58, %dma_start3A_76] : memref<125x80xi32, #tpu.memory_space<vmem>> -> memref<1x80xi32, #tpu.memory_space<vmem>>
        %dma_start3A_78 = tpu.memref_squeeze %dma_start3A_77 : memref<1x80xi32, #tpu.memory_space<vmem>> -> memref<80xi32, #tpu.memory_space<vmem>>
        %dma_start3A_79 = arith.constant 0 : i32
        %dma_start3A_80 = arith.constant 0 : i32
        %dma_start3A_81 = tpu.memref_slice %arg11[%dma_start3A_79, %dma_start3A_80] : memref<10000x128xf32, #tpu.memory_space<vmem_shared>> -> memref<10000x128xf32, #tpu.memory_space<vmem_shared>>
        tpu.enqueue_indirect_dma source(%arg8 : memref<80x128xf32, #tpu.memory_space<vmem>>) target(%dma_start3A_81 : memref<10000x128xf32, #tpu.memory_space<vmem_shared>>) offsets(%dma_start3A_78 : memref<80xi32, #tpu.memory_space<vmem>>) semaphore(%arg14 : memref<!tpu.dma_semaphore, #tpu.memory_space<semaphore_mem>>) {add = true}
        %add3A_82 = arith.constant 1 : i32
        %add3A_83 = arith.addi %scan3A_58, %add3A_82 : i32
        %lt3A = arith.constant 125 : i32
        %lt3A_84 = arith.cmpi slt, %add3A_83, %lt3A : i32
        %convert_element_type3A_85 = arith.extui %lt3A_84 : i1 to i32
        %cond3A_86 = arith.constant 0 : i32
        %cond3A_87 = arith.cmpi ne, %convert_element_type3A_85, %cond3A_86 : i32
        scf.if %cond3A_87 {
          %ge3A = arith.constant 1 : i32
          %ge3A_88 = arith.cmpi sge, %scan3A_58, %ge3A : i32
          %convert_element_type3A_89 = arith.extui %ge3A_88 : i1 to i32
          %cond3A_90 = arith.constant 0 : i32
          %cond3A_91 = arith.cmpi ne, %convert_element_type3A_89, %cond3A_90 : i32
          scf.if %cond3A_91 {
            %sub3A = arith.constant 1 : i32
            %sub3A_100 = arith.subi %scan3A_58, %sub3A : i32
            %dma_wait3A_101 = arith.constant 0 : i32
            %dma_wait3A_102 = tpu.memref_slice %arg7[%sub3A_100, %dma_wait3A_101] : memref<125x80xi32, #tpu.memory_space<vmem>> -> memref<1x80xi32, #tpu.memory_space<vmem>>
            %dma_wait3A_103 = tpu.memref_squeeze %dma_wait3A_102 : memref<1x80xi32, #tpu.memory_space<vmem>> -> memref<80xi32, #tpu.memory_space<vmem>>
            %dma_wait3A_104 = arith.constant 0 : i32
            %dma_wait3A_105 = arith.constant 0 : i32
            %dma_wait3A_106 = tpu.memref_slice %arg11[%dma_wait3A_104, %dma_wait3A_105] : memref<10000x128xf32, #tpu.memory_space<vmem_shared>> -> memref<10000x128xf32, #tpu.memory_space<vmem_shared>>
            tpu.wait_indirect_dma semaphore(%arg15 : memref<!tpu.dma_semaphore, #tpu.memory_space<semaphore_mem>>) src(%arg9 : memref<80x128xf32, #tpu.memory_space<vmem>>) dst(%dma_wait3A_106 : memref<10000x128xf32, #tpu.memory_space<vmem_shared>>)
          } else {
          }
          %add3A_92 = arith.constant 1 : i32
          %add3A_93 = arith.addi %scan3A_58, %add3A_92 : i32
          %dma_start3A_94 = arith.constant 0 : i32
          %dma_start3A_95 = tpu.memref_slice %arg6[%add3A_93, %dma_start3A_94] : memref<125x80xi32, #tpu.memory_space<vmem>> -> memref<1x80xi32, #tpu.memory_space<vmem>>
          %dma_start3A_96 = tpu.memref_squeeze %dma_start3A_95 : memref<1x80xi32, #tpu.memory_space<vmem>> -> memref<80xi32, #tpu.memory_space<vmem>>
          %dma_start3A_97 = arith.constant 0 : i32
          %dma_start3A_98 = arith.constant 0 : i32
          %dma_start3A_99 = tpu.memref_slice %arg2[%dma_start3A_97, %dma_start3A_98] : memref<10000x128xf32, #tpu.memory_space<hbm>> -> memref<10000x128xf32, #tpu.memory_space<hbm>>
          tpu.enqueue_indirect_dma source(%dma_start3A_99 : memref<10000x128xf32, #tpu.memory_space<hbm>>) target(%arg9 : memref<80x128xf32, #tpu.memory_space<vmem>>) offsets(%dma_start3A_96 : memref<80xi32, #tpu.memory_space<vmem>>) semaphore(%arg13 : memref<!tpu.dma_semaphore, #tpu.memory_space<semaphore_mem>>)
        } else {
        }
      } else {
      }
      %rem3A_63 = arith.constant 2 : i32
      %rem3A_64 = arith.remsi %scan3A_58, %rem3A_63 : i32
      %eq3A_65 = arith.constant 1 : i32
      %eq3A_66 = arith.cmpi eq, %rem3A_64, %eq3A_65 : i32
      %convert_element_type3A_67 = arith.extui %eq3A_66 : i1 to i32
      %cond3A_68 = arith.constant 0 : i32
      %cond3A_69 = arith.cmpi ne, %convert_element_type3A_67, %cond3A_68 : i32
      scf.if %cond3A_69 {
        %dma_wait3A_70 = arith.constant 0 : i32
        %dma_wait3A_71 = tpu.memref_slice %arg6[%scan3A_58, %dma_wait3A_70] : memref<125x80xi32, #tpu.memory_space<vmem>> -> memref<1x80xi32, #tpu.memory_space<vmem>>
        %dma_wait3A_72 = tpu.memref_squeeze %dma_wait3A_71 : memref<1x80xi32, #tpu.memory_space<vmem>> -> memref<80xi32, #tpu.memory_space<vmem>>
        %dma_wait3A_73 = arith.constant 0 : i32
        %dma_wait3A_74 = arith.constant 0 : i32
        %dma_wait3A_75 = tpu.memref_slice %arg2[%dma_wait3A_73, %dma_wait3A_74] : memref<10000x128xf32, #tpu.memory_space<hbm>> -> memref<10000x128xf32, #tpu.memory_space<hbm>>
        tpu.wait_indirect_dma semaphore(%arg13 : memref<!tpu.dma_semaphore, #tpu.memory_space<semaphore_mem>>) src(%dma_wait3A_75 : memref<10000x128xf32, #tpu.memory_space<hbm>>) dst(%arg9 : memref<80x128xf32, #tpu.memory_space<vmem>>)
        %dma_start3A_76 = arith.constant 0 : i32
        %dma_start3A_77 = tpu.memref_slice %arg7[%scan3A_58, %dma_start3A_76] : memref<125x80xi32, #tpu.memory_space<vmem>> -> memref<1x80xi32, #tpu.memory_space<vmem>>
        %dma_start3A_78 = tpu.memref_squeeze %dma_start3A_77 : memref<1x80xi32, #tpu.memory_space<vmem>> -> memref<80xi32, #tpu.memory_space<vmem>>
        %dma_start3A_79 = arith.constant 0 : i32
        %dma_start3A_80 = arith.constant 0 : i32
        %dma_start3A_81 = tpu.memref_slice %arg11[%dma_start3A_79, %dma_start3A_80] : memref<10000x128xf32, #tpu.memory_space<vmem_shared>> -> memref<10000x128xf32, #tpu.memory_space<vmem_shared>>
        tpu.enqueue_indirect_dma source(%arg9 : memref<80x128xf32, #tpu.memory_space<vmem>>) target(%dma_start3A_81 : memref<10000x128xf32, #tpu.memory_space<vmem_shared>>) offsets(%dma_start3A_78 : memref<80xi32, #tpu.memory_space<vmem>>) semaphore(%arg15 : memref<!tpu.dma_semaphore, #tpu.memory_space<semaphore_mem>>) {add = true}
        %add3A_82 = arith.constant 1 : i32
        %add3A_83 = arith.addi %scan3A_58, %add3A_82 : i32
        %lt3A = arith.constant 125 : i32
        %lt3A_84 = arith.cmpi slt, %add3A_83, %lt3A : i32
        %convert_element_type3A_85 = arith.extui %lt3A_84 : i1 to i32
        %cond3A_86 = arith.constant 0 : i32
        %cond3A_87 = arith.cmpi ne, %convert_element_type3A_85, %cond3A_86 : i32
        scf.if %cond3A_87 {
          %ge3A = arith.constant 1 : i32
          %ge3A_88 = arith.cmpi sge, %scan3A_58, %ge3A : i32
          %convert_element_type3A_89 = arith.extui %ge3A_88 : i1 to i32
          %cond3A_90 = arith.constant 0 : i32
          %cond3A_91 = arith.cmpi ne, %convert_element_type3A_89, %cond3A_90 : i32
          scf.if %cond3A_91 {
            %sub3A = arith.constant 1 : i32
            %sub3A_100 = arith.subi %scan3A_58, %sub3A : i32
            %dma_wait3A_101 = arith.constant 0 : i32
            %dma_wait3A_102 = tpu.memref_slice %arg7[%sub3A_100, %dma_wait3A_101] : memref<125x80xi32, #tpu.memory_space<vmem>> -> memref<1x80xi32, #tpu.memory_space<vmem>>
            %dma_wait3A_103 = tpu.memref_squeeze %dma_wait3A_102 : memref<1x80xi32, #tpu.memory_space<vmem>> -> memref<80xi32, #tpu.memory_space<vmem>>
            %dma_wait3A_104 = arith.constant 0 : i32
            %dma_wait3A_105 = arith.constant 0 : i32
            %dma_wait3A_106 = tpu.memref_slice %arg11[%dma_wait3A_104, %dma_wait3A_105] : memref<10000x128xf32, #tpu.memory_space<vmem_shared>> -> memref<10000x128xf32, #tpu.memory_space<vmem_shared>>
            tpu.wait_indirect_dma semaphore(%arg14 : memref<!tpu.dma_semaphore, #tpu.memory_space<semaphore_mem>>) src(%arg8 : memref<80x128xf32, #tpu.memory_space<vmem>>) dst(%dma_wait3A_106 : memref<10000x128xf32, #tpu.memory_space<vmem_shared>>)
          } else {
          }
          %add3A_92 = arith.constant 1 : i32
          %add3A_93 = arith.addi %scan3A_58, %add3A_92 : i32
          %dma_start3A_94 = arith.constant 0 : i32
          %dma_start3A_95 = tpu.memref_slice %arg6[%add3A_93, %dma_start3A_94] : memref<125x80xi32, #tpu.memory_space<vmem>> -> memref<1x80xi32, #tpu.memory_space<vmem>>
          %dma_start3A_96 = tpu.memref_squeeze %dma_start3A_95 : memref<1x80xi32, #tpu.memory_space<vmem>> -> memref<80xi32, #tpu.memory_space<vmem>>
          %dma_start3A_97 = arith.constant 0 : i32
          %dma_start3A_98 = arith.constant 0 : i32
          %dma_start3A_99 = tpu.memref_slice %arg2[%dma_start3A_97, %dma_start3A_98] : memref<10000x128xf32, #tpu.memory_space<hbm>> -> memref<10000x128xf32, #tpu.memory_space<hbm>>
          tpu.enqueue_indirect_dma source(%dma_start3A_99 : memref<10000x128xf32, #tpu.memory_space<hbm>>) target(%arg8 : memref<80x128xf32, #tpu.memory_space<vmem>>) offsets(%dma_start3A_96 : memref<80xi32, #tpu.memory_space<vmem>>) semaphore(%arg12 : memref<!tpu.dma_semaphore, #tpu.memory_space<semaphore_mem>>)
        } else {
        }
      } else {
      }
    }
    %scan3A_33 = arith.constant 125 : i32
    %dma_wait3A = arith.constant 123 : i32
    %dma_wait3A_34 = arith.constant 0 : i32
    %dma_wait3A_35 = tpu.memref_slice %arg7[%dma_wait3A, %dma_wait3A_34] : memref<125x80xi32, #tpu.memory_space<vmem>> -> memref<1x80xi32, #tpu.memory_space<vmem>>
    %dma_wait3A_36 = tpu.memref_squeeze %dma_wait3A_35 : memref<1x80xi32, #tpu.memory_space<vmem>> -> memref<80xi32, #tpu.memory_space<vmem>>
    %dma_wait3A_37 = arith.constant 0 : i32
    %dma_wait3A_38 = arith.constant 0 : i32
    %dma_wait3A_39 = tpu.memref_slice %arg11[%dma_wait3A_37, %dma_wait3A_38] : memref<10000x128xf32, #tpu.memory_space<vmem_shared>> -> memref<10000x128xf32, #tpu.memory_space<vmem_shared>>
    tpu.wait_indirect_dma semaphore(%arg15 : memref<!tpu.dma_semaphore, #tpu.memory_space<semaphore_mem>>) src(%arg9 : memref<80x128xf32, #tpu.memory_space<vmem>>) dst(%dma_wait3A_39 : memref<10000x128xf32, #tpu.memory_space<vmem_shared>>)
    %dma_wait3A_40 = arith.constant 124 : i32
    %dma_wait3A_41 = arith.constant 0 : i32
    %dma_wait3A_42 = tpu.memref_slice %arg7[%dma_wait3A_40, %dma_wait3A_41] : memref<125x80xi32, #tpu.memory_space<vmem>> -> memref<1x80xi32, #tpu.memory_space<vmem>>
    %dma_wait3A_43 = tpu.memref_squeeze %dma_wait3A_42 : memref<1x80xi32, #tpu.memory_space<vmem>> -> memref<80xi32, #tpu.memory_space<vmem>>
    %dma_wait3A_44 = arith.constant 0 : i32
    %dma_wait3A_45 = arith.constant 0 : i32
    %dma_wait3A_46 = tpu.memref_slice %arg11[%dma_wait3A_44, %dma_wait3A_45] : memref<10000x128xf32, #tpu.memory_space<vmem_shared>> -> memref<10000x128xf32, #tpu.memory_space<vmem_shared>>
    tpu.wait_indirect_dma semaphore(%arg14 : memref<!tpu.dma_semaphore, #tpu.memory_space<semaphore_mem>>) src(%arg8 : memref<80x128xf32, #tpu.memory_space<vmem>>) dst(%dma_wait3A_46 : memref<10000x128xf32, #tpu.memory_space<vmem_shared>>)
    %barrier3A_47 = arith.constant 0 : index
    tpu.barrier barrier_id(%barrier3A_47)
    %while3A_48 = arith.constant 0 : i32
    %while3A_49 = arith.constant 0 : i32
    %while3A_50 = arith.subi %select_n3A, %while3A_49 : i32
    %while3A_51 = arith.addi %while3A_49, %while3A_50 : i32
    %while3A_52 = arith.constant 1 : i32
    %while3A_53 = arith.divsi %while3A_50, %while3A_52 : i32
    %while3A_54 = arith.muli %while3A_53, %while3A_52 : i32
    %while3A_55 = arith.addi %while3A_49, %while3A_54 : i32
    %while3A_56 = arith.constant 1 : i32
    scf.for %while3A_58 = %while3A_49 to %while3A_55 step %while3A_56  : i32 {
      %mul3A_59 = arith.constant 80 : i32
      %mul3A_60 = arith.muli %while3A_58, %mul3A_59 : i32
      %add3A_61 = arith.addi %mul3A_8, %mul3A_60 : i32
      "tpu.region"() ({
        %run_scoped3A = tpu.sem_alloc : memref<!tpu.dma_semaphore, #tpu.memory_space<semaphore_mem>>
        %dma_start3A_62 = arith.constant 0 : i32
        %dma_start3A_63 = tpu.memref_slice %arg5[%arg0, %add3A_61, %dma_start3A_62] : memref<2x10000x128xf32, #tpu.memory_space<hbm>> -> memref<1x80x128xf32, #tpu.memory_space<hbm>>
        %dma_start3A_64 = tpu.memref_squeeze %dma_start3A_63 : memref<1x80x128xf32, #tpu.memory_space<hbm>> -> memref<80x128xf32, #tpu.memory_space<hbm>>
        %dma_start3A_65 = arith.constant 0 : i32
        %dma_start3A_66 = tpu.memref_slice %arg11[%add3A_61, %dma_start3A_65] : memref<10000x128xf32, #tpu.memory_space<vmem_shared>> -> memref<80x128xf32, #tpu.memory_space<vmem_shared>>
        tpu.enqueue_dma source(%dma_start3A_66 : memref<80x128xf32, #tpu.memory_space<vmem_shared>>) target(%dma_start3A_64 : memref<80x128xf32, #tpu.memory_space<hbm>>) target_semaphore(%run_scoped3A : memref<!tpu.dma_semaphore, #tpu.memory_space<semaphore_mem>>)
        %dma_wait3A_67 = arith.constant 0 : i32
        %dma_wait3A_68 = tpu.memref_slice %arg5[%arg0, %add3A_61, %dma_wait3A_67] : memref<2x10000x128xf32, #tpu.memory_space<hbm>> -> memref<1x80x128xf32, #tpu.memory_space<hbm>>
        %dma_wait3A_69 = tpu.memref_squeeze %dma_wait3A_68 : memref<1x80x128xf32, #tpu.memory_space<hbm>> -> memref<80x128xf32, #tpu.memory_space<hbm>>
        %dma_wait3A_70 = arith.constant 0 : i32
        %dma_wait3A_71 = tpu.memref_slice %arg11[%add3A_61, %dma_wait3A_70] : memref<10000x128xf32, #tpu.memory_space<vmem_shared>> -> memref<80x128xf32, #tpu.memory_space<vmem_shared>>
        tpu.wait_dma2 semaphore(%run_scoped3A : memref<!tpu.dma_semaphore, #tpu.memory_space<semaphore_mem>>) src(%dma_wait3A_71 : memref<80x128xf32, #tpu.memory_space<vmem_shared>>) dst(%dma_wait3A_69 : memref<80x128xf32, #tpu.memory_space<hbm>>)
        tpu.yield
      }) : () -> ()
    }
    %while3A_57 = arith.constant 1 : i32
    scf.for %while3A_58 = %while3A_55 to %while3A_51 step %while3A_57  : i32 {
      %mul3A_59 = arith.constant 80 : i32
      %mul3A_60 = arith.muli %while3A_58, %mul3A_59 : i32
      %add3A_61 = arith.addi %mul3A_8, %mul3A_60 : i32
      "tpu.region"() ({
        %run_scoped3A = tpu.sem_alloc : memref<!tpu.dma_semaphore, #tpu.memory_space<semaphore_mem>>
        %dma_start3A_62 = arith.constant 0 : i32
        %dma_start3A_63 = tpu.memref_slice %arg5[%arg0, %add3A_61, %dma_start3A_62] : memref<2x10000x128xf32, #tpu.memory_space<hbm>> -> memref<1x80x128xf32, #tpu.memory_space<hbm>>
        %dma_start3A_64 = tpu.memref_squeeze %dma_start3A_63 : memref<1x80x128xf32, #tpu.memory_space<hbm>> -> memref<80x128xf32, #tpu.memory_space<hbm>>
        %dma_start3A_65 = arith.constant 0 : i32
        %dma_start3A_66 = tpu.memref_slice %arg11[%add3A_61, %dma_start3A_65] : memref<10000x128xf32, #tpu.memory_space<vmem_shared>> -> memref<80x128xf32, #tpu.memory_space<vmem_shared>>
        tpu.enqueue_dma source(%dma_start3A_66 : memref<80x128xf32, #tpu.memory_space<vmem_shared>>) target(%dma_start3A_64 : memref<80x128xf32, #tpu.memory_space<hbm>>) target_semaphore(%run_scoped3A : memref<!tpu.dma_semaphore, #tpu.memory_space<semaphore_mem>>)
        %dma_wait3A_67 = arith.constant 0 : i32
        %dma_wait3A_68 = tpu.memref_slice %arg5[%arg0, %add3A_61, %dma_wait3A_67] : memref<2x10000x128xf32, #tpu.memory_space<hbm>> -> memref<1x80x128xf32, #tpu.memory_space<hbm>>
        %dma_wait3A_69 = tpu.memref_squeeze %dma_wait3A_68 : memref<1x80x128xf32, #tpu.memory_space<hbm>> -> memref<80x128xf32, #tpu.memory_space<hbm>>
        %dma_wait3A_70 = arith.constant 0 : i32
        %dma_wait3A_71 = tpu.memref_slice %arg11[%add3A_61, %dma_wait3A_70] : memref<10000x128xf32, #tpu.memory_space<vmem_shared>> -> memref<80x128xf32, #tpu.memory_space<vmem_shared>>
        tpu.wait_dma2 semaphore(%run_scoped3A : memref<!tpu.dma_semaphore, #tpu.memory_space<semaphore_mem>>) src(%dma_wait3A_71 : memref<80x128xf32, #tpu.memory_space<vmem_shared>>) dst(%dma_wait3A_69 : memref<80x128xf32, #tpu.memory_space<hbm>>)
        tpu.yield
      }) : () -> ()
    }
    return
  }
}

#map = affine_map<(d0, d1) -> (0, 0)>
#map1 = affine_map<(d0, d1) -> (0, 0, 0)>
module attributes {stable_mosaic.version = 14 : i64} {
  func.func @spmm(%arg0: i32, %arg1: i32, %arg2: memref<10000x64xf32, #tpu.memory_space<hbm>>, %arg3: memref<4000x80xi32, #tpu.memory_space<hbm>>, %arg4: memref<4000x80xi32, #tpu.memory_space<hbm>>, %arg5: memref<2x10000x64xf32, #tpu.memory_space<hbm>>, %arg6: memref<125x80xi32, #tpu.memory_space<vmem>>, %arg7: memref<125x80xi32, #tpu.memory_space<vmem>>, %arg8: memref<80x64xf32, #tpu.memory_space<vmem>>, %arg9: memref<80x64xf32, #tpu.memory_space<vmem>>, %arg10: memref<80x64xf32, #tpu.memory_space<vmem>>, %arg11: memref<10000x64xf32, #tpu.memory_space<vmem_shared>>, %arg12: memref<!tpu.dma_semaphore, #tpu.memory_space<semaphore_mem>>, %arg13: memref<!tpu.dma_semaphore, #tpu.memory_space<semaphore_mem>>, %arg14: memref<!tpu.dma_semaphore, #tpu.memory_space<semaphore_mem>>, %arg15: memref<!tpu.dma_semaphore, #tpu.memory_space<semaphore_mem>>, %arg16: memref<10000x64xf32, #tpu.memory_space<vmem_shared>>) attributes {dimension_semantics = [#tpu.dimension_semantics<core_parallel>, #tpu.dimension_semantics<subcore_parallel>], iteration_bounds = array<i64: 2, 16>, scalar_prefetch = 0 : i64, scratch_operands = 11 : i64, tpu.core_type = #tpu.core_type<sc_vector_subcore>, window_params = [{transform_indices = #map}, {transform_indices = #map}, {transform_indices = #map}, {transform_indices = #map1}]} {
    %mul3A = arith.constant 16 : i32
    %mul3A_0 = arith.muli %arg0, %mul3A : i32
    %add3A = arith.addi %mul3A_0, %arg1 : i32
    %broadcast_in_dim3A = arith.constant 0.000000e+00 : f32
    %broadcast_in_dim3A_1 = vector.broadcast %broadcast_in_dim3A : f32 to vector<16xf32>
    %scan3A = arith.constant 0 : i32
    %scan3A_2 = arith.constant 0 : i32
    %scan3A_3 = arith.constant 80 : i32
    %scan3A_4 = arith.addi %scan3A_2, %scan3A_3 : i32
    %scan3A_5 = arith.constant 1 : i32
    scf.for %scan3A_68 = %scan3A_2 to %scan3A_4 step %scan3A_5  : i32 {
      %swap3A = arith.index_cast %scan3A_68 : i32 to index
      %swap3A_69 = arith.constant 0 : index
      %swap3A_70 = tpu.vector_load %arg10[%swap3A, %swap3A_69] {strides = array<i32>} : memref<80x64xf32, #tpu.memory_space<vmem>>, vector<1x16xf32>,
      %swap3A_71 = vector.shape_cast %swap3A_70 : vector<1x16xf32> to vector<16xf32>
      %swap3A_72 = vector.shape_cast %broadcast_in_dim3A_1 : vector<16xf32> to vector<1x16xf32>
      tpu.vector_store %arg10[%swap3A, %swap3A_69], %swap3A_72 {strides = array<i32>} : memref<80x64xf32, #tpu.memory_space<vmem>>, vector<1x16xf32>,
      %swap3A_73 = arith.index_cast %scan3A_68 : i32 to index
      %swap3A_74 = arith.constant 16 : index
      %swap3A_75 = tpu.vector_load %arg10[%swap3A_73, %swap3A_74] {strides = array<i32>} : memref<80x64xf32, #tpu.memory_space<vmem>>, vector<1x16xf32>,
      %swap3A_76 = vector.shape_cast %swap3A_75 : vector<1x16xf32> to vector<16xf32>
      %swap3A_77 = vector.shape_cast %broadcast_in_dim3A_1 : vector<16xf32> to vector<1x16xf32>
      tpu.vector_store %arg10[%swap3A_73, %swap3A_74], %swap3A_77 {strides = array<i32>} : memref<80x64xf32, #tpu.memory_space<vmem>>, vector<1x16xf32>,
      %swap3A_78 = arith.index_cast %scan3A_68 : i32 to index
      %swap3A_79 = arith.constant 32 : index
      %swap3A_80 = tpu.vector_load %arg10[%swap3A_78, %swap3A_79] {strides = array<i32>} : memref<80x64xf32, #tpu.memory_space<vmem>>, vector<1x16xf32>,
      %swap3A_81 = vector.shape_cast %swap3A_80 : vector<1x16xf32> to vector<16xf32>
      %swap3A_82 = vector.shape_cast %broadcast_in_dim3A_1 : vector<16xf32> to vector<1x16xf32>
      tpu.vector_store %arg10[%swap3A_78, %swap3A_79], %swap3A_82 {strides = array<i32>} : memref<80x64xf32, #tpu.memory_space<vmem>>, vector<1x16xf32>,
      %swap3A_83 = arith.index_cast %scan3A_68 : i32 to index
      %swap3A_84 = arith.constant 48 : index
      %swap3A_85 = tpu.vector_load %arg10[%swap3A_83, %swap3A_84] {strides = array<i32>} : memref<80x64xf32, #tpu.memory_space<vmem>>, vector<1x16xf32>,
      %swap3A_86 = vector.shape_cast %swap3A_85 : vector<1x16xf32> to vector<16xf32>
      %swap3A_87 = vector.shape_cast %broadcast_in_dim3A_1 : vector<16xf32> to vector<1x16xf32>
      tpu.vector_store %arg10[%swap3A_83, %swap3A_84], %swap3A_87 {strides = array<i32>} : memref<80x64xf32, #tpu.memory_space<vmem>>, vector<1x16xf32>,
    }
    %scan3A_6 = arith.constant 80 : i32
    %mul3A_7 = arith.constant 640 : i32
    %mul3A_8 = arith.muli %arg1, %mul3A_7 : i32
    %eq3A = arith.constant 15 : i32
    %eq3A_9 = arith.cmpi eq, %arg1, %eq3A : i32
    %jit3A = arith.constant 5 : i32
    %jit3A_10 = arith.constant 8 : i32
    %select_n3A = arith.select %eq3A_9, %jit3A, %jit3A_10 : i32
    %while3A = arith.constant 0 : i32
    %while3A_11 = arith.constant 0 : i32
    %while3A_12 = arith.subi %select_n3A, %while3A_11 : i32
    %while3A_13 = arith.addi %while3A_11, %while3A_12 : i32
    %while3A_14 = arith.constant 1 : i32
    %while3A_15 = arith.divsi %while3A_12, %while3A_14 : i32
    %while3A_16 = arith.muli %while3A_15, %while3A_14 : i32
    %while3A_17 = arith.addi %while3A_11, %while3A_16 : i32
    %while3A_18 = arith.constant 1 : i32
    scf.for %while3A_68 = %while3A_11 to %while3A_17 step %while3A_18  : i32 {
      %mul3A_69 = arith.constant 80 : i32
      %mul3A_70 = arith.muli %while3A_68, %mul3A_69 : i32
      %add3A_71 = arith.addi %mul3A_8, %mul3A_70 : i32
      "tpu.region"() ({
        %run_scoped3A = tpu.sem_alloc : memref<!tpu.dma_semaphore, #tpu.memory_space<semaphore_mem>>
        %dma_start3A_72 = arith.constant 0 : i32
        %dma_start3A_73 = tpu.memref_slice %arg11[%add3A_71, %dma_start3A_72] : memref<10000x64xf32, #tpu.memory_space<vmem_shared>> -> memref<80x64xf32, #tpu.memory_space<vmem_shared>>
        %dma_start3A_74 = arith.constant 0 : i32
        %dma_start3A_75 = tpu.memref_slice %arg11[%add3A_71, %dma_start3A_74] : memref<10000x64xf32, #tpu.memory_space<vmem_shared>> -> memref<80x64xf32, #tpu.memory_space<vmem_shared>>
        tpu.enqueue_dma source(%arg10 : memref<80x64xf32, #tpu.memory_space<vmem>>) target(%dma_start3A_75 : memref<80x64xf32, #tpu.memory_space<vmem_shared>>) target_semaphore(%run_scoped3A : memref<!tpu.dma_semaphore, #tpu.memory_space<semaphore_mem>>)
        %dma_wait3A_76 = arith.constant 0 : i32
        %dma_wait3A_77 = tpu.memref_slice %arg11[%add3A_71, %dma_wait3A_76] : memref<10000x64xf32, #tpu.memory_space<vmem_shared>> -> memref<80x64xf32, #tpu.memory_space<vmem_shared>>
        %dma_wait3A_78 = arith.constant 0 : i32
        %dma_wait3A_79 = tpu.memref_slice %arg11[%add3A_71, %dma_wait3A_78] : memref<10000x64xf32, #tpu.memory_space<vmem_shared>> -> memref<80x64xf32, #tpu.memory_space<vmem_shared>>
        tpu.wait_dma2 semaphore(%run_scoped3A : memref<!tpu.dma_semaphore, #tpu.memory_space<semaphore_mem>>) src(%arg10 : memref<80x64xf32, #tpu.memory_space<vmem>>) dst(%dma_wait3A_79 : memref<80x64xf32, #tpu.memory_space<vmem_shared>>)
        tpu.yield
      }) : () -> ()
    }
    %while3A_19 = arith.constant 1 : i32
    scf.for %while3A_68 = %while3A_17 to %while3A_13 step %while3A_19  : i32 {
      %mul3A_69 = arith.constant 80 : i32
      %mul3A_70 = arith.muli %while3A_68, %mul3A_69 : i32
      %add3A_71 = arith.addi %mul3A_8, %mul3A_70 : i32
      "tpu.region"() ({
        %run_scoped3A = tpu.sem_alloc : memref<!tpu.dma_semaphore, #tpu.memory_space<semaphore_mem>>
        %dma_start3A_72 = arith.constant 0 : i32
        %dma_start3A_73 = tpu.memref_slice %arg11[%add3A_71, %dma_start3A_72] : memref<10000x64xf32, #tpu.memory_space<vmem_shared>> -> memref<80x64xf32, #tpu.memory_space<vmem_shared>>
        %dma_start3A_74 = arith.constant 0 : i32
        %dma_start3A_75 = tpu.memref_slice %arg11[%add3A_71, %dma_start3A_74] : memref<10000x64xf32, #tpu.memory_space<vmem_shared>> -> memref<80x64xf32, #tpu.memory_space<vmem_shared>>
        tpu.enqueue_dma source(%arg10 : memref<80x64xf32, #tpu.memory_space<vmem>>) target(%dma_start3A_75 : memref<80x64xf32, #tpu.memory_space<vmem_shared>>) target_semaphore(%run_scoped3A : memref<!tpu.dma_semaphore, #tpu.memory_space<semaphore_mem>>)
        %dma_wait3A_76 = arith.constant 0 : i32
        %dma_wait3A_77 = tpu.memref_slice %arg11[%add3A_71, %dma_wait3A_76] : memref<10000x64xf32, #tpu.memory_space<vmem_shared>> -> memref<80x64xf32, #tpu.memory_space<vmem_shared>>
        %dma_wait3A_78 = arith.constant 0 : i32
        %dma_wait3A_79 = tpu.memref_slice %arg11[%add3A_71, %dma_wait3A_78] : memref<10000x64xf32, #tpu.memory_space<vmem_shared>> -> memref<80x64xf32, #tpu.memory_space<vmem_shared>>
        tpu.wait_dma2 semaphore(%run_scoped3A : memref<!tpu.dma_semaphore, #tpu.memory_space<semaphore_mem>>) src(%arg10 : memref<80x64xf32, #tpu.memory_space<vmem>>) dst(%dma_wait3A_79 : memref<80x64xf32, #tpu.memory_space<vmem_shared>>)
        tpu.yield
      }) : () -> ()
    }
    %mul3A_20 = arith.constant 125 : i32
    %mul3A_21 = arith.muli %add3A, %mul3A_20 : i32
    "tpu.region"() ({
      %run_scoped3A = tpu.sem_alloc : memref<!tpu.dma_semaphore, #tpu.memory_space<semaphore_mem>>
      %dma_start3A_68 = arith.constant 0 : i32
      %dma_start3A_69 = tpu.memref_slice %arg3[%mul3A_21, %dma_start3A_68] : memref<4000x80xi32, #tpu.memory_space<hbm>> -> memref<125x80xi32, #tpu.memory_space<hbm>>
      %dma_start3A_70 = arith.constant 0 : i32
      %dma_start3A_71 = tpu.memref_slice %arg3[%mul3A_21, %dma_start3A_70] : memref<4000x80xi32, #tpu.memory_space<hbm>> -> memref<125x80xi32, #tpu.memory_space<hbm>>
      tpu.enqueue_dma source(%dma_start3A_71 : memref<125x80xi32, #tpu.memory_space<hbm>>) target(%arg6 : memref<125x80xi32, #tpu.memory_space<vmem>>) target_semaphore(%run_scoped3A : memref<!tpu.dma_semaphore, #tpu.memory_space<semaphore_mem>>)
      %dma_wait3A_72 = arith.constant 0 : i32
      %dma_wait3A_73 = tpu.memref_slice %arg3[%mul3A_21, %dma_wait3A_72] : memref<4000x80xi32, #tpu.memory_space<hbm>> -> memref<125x80xi32, #tpu.memory_space<hbm>>
      %dma_wait3A_74 = arith.constant 0 : i32
      %dma_wait3A_75 = tpu.memref_slice %arg3[%mul3A_21, %dma_wait3A_74] : memref<4000x80xi32, #tpu.memory_space<hbm>> -> memref<125x80xi32, #tpu.memory_space<hbm>>
      tpu.wait_dma2 semaphore(%run_scoped3A : memref<!tpu.dma_semaphore, #tpu.memory_space<semaphore_mem>>) src(%dma_wait3A_75 : memref<125x80xi32, #tpu.memory_space<hbm>>) dst(%arg6 : memref<125x80xi32, #tpu.memory_space<vmem>>)
      tpu.yield
    }) : () -> ()
    "tpu.region"() ({
      %run_scoped3A = tpu.sem_alloc : memref<!tpu.dma_semaphore, #tpu.memory_space<semaphore_mem>>
      %dma_start3A_68 = arith.constant 0 : i32
      %dma_start3A_69 = tpu.memref_slice %arg4[%mul3A_21, %dma_start3A_68] : memref<4000x80xi32, #tpu.memory_space<hbm>> -> memref<125x80xi32, #tpu.memory_space<hbm>>
      %dma_start3A_70 = arith.constant 0 : i32
      %dma_start3A_71 = tpu.memref_slice %arg4[%mul3A_21, %dma_start3A_70] : memref<4000x80xi32, #tpu.memory_space<hbm>> -> memref<125x80xi32, #tpu.memory_space<hbm>>
      tpu.enqueue_dma source(%dma_start3A_71 : memref<125x80xi32, #tpu.memory_space<hbm>>) target(%arg7 : memref<125x80xi32, #tpu.memory_space<vmem>>) target_semaphore(%run_scoped3A : memref<!tpu.dma_semaphore, #tpu.memory_space<semaphore_mem>>)
      %dma_wait3A_72 = arith.constant 0 : i32
      %dma_wait3A_73 = tpu.memref_slice %arg4[%mul3A_21, %dma_wait3A_72] : memref<4000x80xi32, #tpu.memory_space<hbm>> -> memref<125x80xi32, #tpu.memory_space<hbm>>
      %dma_wait3A_74 = arith.constant 0 : i32
      %dma_wait3A_75 = tpu.memref_slice %arg4[%mul3A_21, %dma_wait3A_74] : memref<4000x80xi32, #tpu.memory_space<hbm>> -> memref<125x80xi32, #tpu.memory_space<hbm>>
      tpu.wait_dma2 semaphore(%run_scoped3A : memref<!tpu.dma_semaphore, #tpu.memory_space<semaphore_mem>>) src(%dma_wait3A_75 : memref<125x80xi32, #tpu.memory_space<hbm>>) dst(%arg7 : memref<125x80xi32, #tpu.memory_space<vmem>>)
      tpu.yield
    }) : () -> ()
    %while3A_22 = arith.constant 0 : i32
    %while3A_23 = arith.constant 0 : i32
    %while3A_24 = arith.subi %select_n3A, %while3A_23 : i32
    %while3A_25 = arith.addi %while3A_23, %while3A_24 : i32
    %while3A_26 = arith.constant 1 : i32
    %while3A_27 = arith.divsi %while3A_24, %while3A_26 : i32
    %while3A_28 = arith.muli %while3A_27, %while3A_26 : i32
    %while3A_29 = arith.addi %while3A_23, %while3A_28 : i32
    %while3A_30 = arith.constant 1 : i32
    scf.for %while3A_68 = %while3A_23 to %while3A_29 step %while3A_30  : i32 {
      %mul3A_69 = arith.constant 80 : i32
      %mul3A_70 = arith.muli %while3A_68, %mul3A_69 : i32
      %add3A_71 = arith.addi %mul3A_8, %mul3A_70 : i32
      "tpu.region"() ({
        %run_scoped3A = tpu.sem_alloc : memref<!tpu.dma_semaphore, #tpu.memory_space<semaphore_mem>>
        %dma_start3A_72 = arith.constant 0 : i32
        %dma_start3A_73 = tpu.memref_slice %arg16[%add3A_71, %dma_start3A_72] : memref<10000x64xf32, #tpu.memory_space<vmem_shared>> -> memref<80x64xf32, #tpu.memory_space<vmem_shared>>
        %dma_start3A_74 = arith.constant 0 : i32
        %dma_start3A_75 = tpu.memref_slice %arg2[%add3A_71, %dma_start3A_74] : memref<10000x64xf32, #tpu.memory_space<hbm>> -> memref<80x64xf32, #tpu.memory_space<hbm>>
        tpu.enqueue_dma source(%dma_start3A_75 : memref<80x64xf32, #tpu.memory_space<hbm>>) target(%dma_start3A_73 : memref<80x64xf32, #tpu.memory_space<vmem_shared>>) target_semaphore(%run_scoped3A : memref<!tpu.dma_semaphore, #tpu.memory_space<semaphore_mem>>)
        %dma_wait3A_76 = arith.constant 0 : i32
        %dma_wait3A_77 = tpu.memref_slice %arg16[%add3A_71, %dma_wait3A_76] : memref<10000x64xf32, #tpu.memory_space<vmem_shared>> -> memref<80x64xf32, #tpu.memory_space<vmem_shared>>
        %dma_wait3A_78 = arith.constant 0 : i32
        %dma_wait3A_79 = tpu.memref_slice %arg2[%add3A_71, %dma_wait3A_78] : memref<10000x64xf32, #tpu.memory_space<hbm>> -> memref<80x64xf32, #tpu.memory_space<hbm>>
        tpu.wait_dma2 semaphore(%run_scoped3A : memref<!tpu.dma_semaphore, #tpu.memory_space<semaphore_mem>>) src(%dma_wait3A_79 : memref<80x64xf32, #tpu.memory_space<hbm>>) dst(%dma_wait3A_77 : memref<80x64xf32, #tpu.memory_space<vmem_shared>>)
        tpu.yield
      }) : () -> ()
    }
    %while3A_31 = arith.constant 1 : i32
    scf.for %while3A_68 = %while3A_29 to %while3A_25 step %while3A_31  : i32 {
      %mul3A_69 = arith.constant 80 : i32
      %mul3A_70 = arith.muli %while3A_68, %mul3A_69 : i32
      %add3A_71 = arith.addi %mul3A_8, %mul3A_70 : i32
      "tpu.region"() ({
        %run_scoped3A = tpu.sem_alloc : memref<!tpu.dma_semaphore, #tpu.memory_space<semaphore_mem>>
        %dma_start3A_72 = arith.constant 0 : i32
        %dma_start3A_73 = tpu.memref_slice %arg16[%add3A_71, %dma_start3A_72] : memref<10000x64xf32, #tpu.memory_space<vmem_shared>> -> memref<80x64xf32, #tpu.memory_space<vmem_shared>>
        %dma_start3A_74 = arith.constant 0 : i32
        %dma_start3A_75 = tpu.memref_slice %arg2[%add3A_71, %dma_start3A_74] : memref<10000x64xf32, #tpu.memory_space<hbm>> -> memref<80x64xf32, #tpu.memory_space<hbm>>
        tpu.enqueue_dma source(%dma_start3A_75 : memref<80x64xf32, #tpu.memory_space<hbm>>) target(%dma_start3A_73 : memref<80x64xf32, #tpu.memory_space<vmem_shared>>) target_semaphore(%run_scoped3A : memref<!tpu.dma_semaphore, #tpu.memory_space<semaphore_mem>>)
        %dma_wait3A_76 = arith.constant 0 : i32
        %dma_wait3A_77 = tpu.memref_slice %arg16[%add3A_71, %dma_wait3A_76] : memref<10000x64xf32, #tpu.memory_space<vmem_shared>> -> memref<80x64xf32, #tpu.memory_space<vmem_shared>>
        %dma_wait3A_78 = arith.constant 0 : i32
        %dma_wait3A_79 = tpu.memref_slice %arg2[%add3A_71, %dma_wait3A_78] : memref<10000x64xf32, #tpu.memory_space<hbm>> -> memref<80x64xf32, #tpu.memory_space<hbm>>
        tpu.wait_dma2 semaphore(%run_scoped3A : memref<!tpu.dma_semaphore, #tpu.memory_space<semaphore_mem>>) src(%dma_wait3A_79 : memref<80x64xf32, #tpu.memory_space<hbm>>) dst(%dma_wait3A_77 : memref<80x64xf32, #tpu.memory_space<vmem_shared>>)
        tpu.yield
      }) : () -> ()
    }
    %barrier3A = arith.constant 0 : index
    tpu.barrier barrier_id(%barrier3A)
    %dma_start3A = arith.constant 0 : i32
    %dma_start3A_32 = arith.constant 0 : i32
    %dma_start3A_33 = tpu.memref_slice %arg6[%dma_start3A, %dma_start3A_32] : memref<125x80xi32, #tpu.memory_space<vmem>> -> memref<1x80xi32, #tpu.memory_space<vmem>>
    %dma_start3A_34 = tpu.memref_squeeze %dma_start3A_33 : memref<1x80xi32, #tpu.memory_space<vmem>> -> memref<80xi32, #tpu.memory_space<vmem>>
    %dma_start3A_35 = arith.constant 0 : i32
    %dma_start3A_36 = arith.constant 0 : i32
    %dma_start3A_37 = tpu.memref_slice %arg16[%dma_start3A_35, %dma_start3A_36] : memref<10000x64xf32, #tpu.memory_space<vmem_shared>> -> memref<10000x64xf32, #tpu.memory_space<vmem_shared>>
    tpu.enqueue_indirect_dma source(%dma_start3A_37 : memref<10000x64xf32, #tpu.memory_space<vmem_shared>>) target(%arg8 : memref<80x64xf32, #tpu.memory_space<vmem>>) offsets(%dma_start3A_34 : memref<80xi32, #tpu.memory_space<vmem>>) semaphore(%arg12 : memref<!tpu.dma_semaphore, #tpu.memory_space<semaphore_mem>>)
    %scan3A_38 = arith.constant 0 : i32
    %scan3A_39 = arith.constant 0 : i32
    %scan3A_40 = arith.constant 125 : i32
    %scan3A_41 = arith.addi %scan3A_39, %scan3A_40 : i32
    %scan3A_42 = arith.constant 1 : i32
    scf.for %scan3A_68 = %scan3A_39 to %scan3A_41 step %scan3A_42  : i32 {
      %rem3A = arith.constant 2 : i32
      %rem3A_69 = arith.remsi %scan3A_68, %rem3A : i32
      %eq3A_70 = arith.constant 0 : i32
      %eq3A_71 = arith.cmpi eq, %rem3A_69, %eq3A_70 : i32
      %convert_element_type3A = arith.extui %eq3A_71 : i1 to i32
      %cond3A = arith.constant 0 : i32
      %cond3A_72 = arith.cmpi ne, %convert_element_type3A, %cond3A : i32
      scf.if %cond3A_72 {
        %dma_wait3A_80 = arith.constant 0 : i32
        %dma_wait3A_81 = tpu.memref_slice %arg6[%scan3A_68, %dma_wait3A_80] : memref<125x80xi32, #tpu.memory_space<vmem>> -> memref<1x80xi32, #tpu.memory_space<vmem>>
        %dma_wait3A_82 = tpu.memref_squeeze %dma_wait3A_81 : memref<1x80xi32, #tpu.memory_space<vmem>> -> memref<80xi32, #tpu.memory_space<vmem>>
        %dma_wait3A_83 = arith.constant 0 : i32
        %dma_wait3A_84 = arith.constant 0 : i32
        %dma_wait3A_85 = tpu.memref_slice %arg16[%dma_wait3A_83, %dma_wait3A_84] : memref<10000x64xf32, #tpu.memory_space<vmem_shared>> -> memref<10000x64xf32, #tpu.memory_space<vmem_shared>>
        tpu.wait_indirect_dma semaphore(%arg12 : memref<!tpu.dma_semaphore, #tpu.memory_space<semaphore_mem>>) src(%dma_wait3A_85 : memref<10000x64xf32, #tpu.memory_space<vmem_shared>>) dst(%arg8 : memref<80x64xf32, #tpu.memory_space<vmem>>)
        %dma_start3A_86 = arith.constant 0 : i32
        %dma_start3A_87 = tpu.memref_slice %arg7[%scan3A_68, %dma_start3A_86] : memref<125x80xi32, #tpu.memory_space<vmem>> -> memref<1x80xi32, #tpu.memory_space<vmem>>
        %dma_start3A_88 = tpu.memref_squeeze %dma_start3A_87 : memref<1x80xi32, #tpu.memory_space<vmem>> -> memref<80xi32, #tpu.memory_space<vmem>>
        %dma_start3A_89 = arith.constant 0 : i32
        %dma_start3A_90 = arith.constant 0 : i32
        %dma_start3A_91 = tpu.memref_slice %arg11[%dma_start3A_89, %dma_start3A_90] : memref<10000x64xf32, #tpu.memory_space<vmem_shared>> -> memref<10000x64xf32, #tpu.memory_space<vmem_shared>>
        tpu.enqueue_indirect_dma source(%arg8 : memref<80x64xf32, #tpu.memory_space<vmem>>) target(%dma_start3A_91 : memref<10000x64xf32, #tpu.memory_space<vmem_shared>>) offsets(%dma_start3A_88 : memref<80xi32, #tpu.memory_space<vmem>>) semaphore(%arg14 : memref<!tpu.dma_semaphore, #tpu.memory_space<semaphore_mem>>) {add = true}
        %add3A_92 = arith.constant 1 : i32
        %add3A_93 = arith.addi %scan3A_68, %add3A_92 : i32
        %lt3A = arith.constant 125 : i32
        %lt3A_94 = arith.cmpi slt, %add3A_93, %lt3A : i32
        %convert_element_type3A_95 = arith.extui %lt3A_94 : i1 to i32
        %cond3A_96 = arith.constant 0 : i32
        %cond3A_97 = arith.cmpi ne, %convert_element_type3A_95, %cond3A_96 : i32
        scf.if %cond3A_97 {
          %ge3A = arith.constant 1 : i32
          %ge3A_98 = arith.cmpi sge, %scan3A_68, %ge3A : i32
          %convert_element_type3A_99 = arith.extui %ge3A_98 : i1 to i32
          %cond3A_100 = arith.constant 0 : i32
          %cond3A_101 = arith.cmpi ne, %convert_element_type3A_99, %cond3A_100 : i32
          scf.if %cond3A_101 {
            %sub3A = arith.constant 1 : i32
            %sub3A_110 = arith.subi %scan3A_68, %sub3A : i32
            %dma_wait3A_111 = arith.constant 0 : i32
            %dma_wait3A_112 = tpu.memref_slice %arg7[%sub3A_110, %dma_wait3A_111] : memref<125x80xi32, #tpu.memory_space<vmem>> -> memref<1x80xi32, #tpu.memory_space<vmem>>
            %dma_wait3A_113 = tpu.memref_squeeze %dma_wait3A_112 : memref<1x80xi32, #tpu.memory_space<vmem>> -> memref<80xi32, #tpu.memory_space<vmem>>
            %dma_wait3A_114 = arith.constant 0 : i32
            %dma_wait3A_115 = arith.constant 0 : i32
            %dma_wait3A_116 = tpu.memref_slice %arg11[%dma_wait3A_114, %dma_wait3A_115] : memref<10000x64xf32, #tpu.memory_space<vmem_shared>> -> memref<10000x64xf32, #tpu.memory_space<vmem_shared>>
            tpu.wait_indirect_dma semaphore(%arg15 : memref<!tpu.dma_semaphore, #tpu.memory_space<semaphore_mem>>) src(%arg9 : memref<80x64xf32, #tpu.memory_space<vmem>>) dst(%dma_wait3A_116 : memref<10000x64xf32, #tpu.memory_space<vmem_shared>>)
          } else {
          }
          %add3A_102 = arith.constant 1 : i32
          %add3A_103 = arith.addi %scan3A_68, %add3A_102 : i32
          %dma_start3A_104 = arith.constant 0 : i32
          %dma_start3A_105 = tpu.memref_slice %arg6[%add3A_103, %dma_start3A_104] : memref<125x80xi32, #tpu.memory_space<vmem>> -> memref<1x80xi32, #tpu.memory_space<vmem>>
          %dma_start3A_106 = tpu.memref_squeeze %dma_start3A_105 : memref<1x80xi32, #tpu.memory_space<vmem>> -> memref<80xi32, #tpu.memory_space<vmem>>
          %dma_start3A_107 = arith.constant 0 : i32
          %dma_start3A_108 = arith.constant 0 : i32
          %dma_start3A_109 = tpu.memref_slice %arg16[%dma_start3A_107, %dma_start3A_108] : memref<10000x64xf32, #tpu.memory_space<vmem_shared>> -> memref<10000x64xf32, #tpu.memory_space<vmem_shared>>
          tpu.enqueue_indirect_dma source(%dma_start3A_109 : memref<10000x64xf32, #tpu.memory_space<vmem_shared>>) target(%arg9 : memref<80x64xf32, #tpu.memory_space<vmem>>) offsets(%dma_start3A_106 : memref<80xi32, #tpu.memory_space<vmem>>) semaphore(%arg13 : memref<!tpu.dma_semaphore, #tpu.memory_space<semaphore_mem>>)
        } else {
        }
      } else {
      }
      %rem3A_73 = arith.constant 2 : i32
      %rem3A_74 = arith.remsi %scan3A_68, %rem3A_73 : i32
      %eq3A_75 = arith.constant 1 : i32
      %eq3A_76 = arith.cmpi eq, %rem3A_74, %eq3A_75 : i32
      %convert_element_type3A_77 = arith.extui %eq3A_76 : i1 to i32
      %cond3A_78 = arith.constant 0 : i32
      %cond3A_79 = arith.cmpi ne, %convert_element_type3A_77, %cond3A_78 : i32
      scf.if %cond3A_79 {
        %dma_wait3A_80 = arith.constant 0 : i32
        %dma_wait3A_81 = tpu.memref_slice %arg6[%scan3A_68, %dma_wait3A_80] : memref<125x80xi32, #tpu.memory_space<vmem>> -> memref<1x80xi32, #tpu.memory_space<vmem>>
        %dma_wait3A_82 = tpu.memref_squeeze %dma_wait3A_81 : memref<1x80xi32, #tpu.memory_space<vmem>> -> memref<80xi32, #tpu.memory_space<vmem>>
        %dma_wait3A_83 = arith.constant 0 : i32
        %dma_wait3A_84 = arith.constant 0 : i32
        %dma_wait3A_85 = tpu.memref_slice %arg16[%dma_wait3A_83, %dma_wait3A_84] : memref<10000x64xf32, #tpu.memory_space<vmem_shared>> -> memref<10000x64xf32, #tpu.memory_space<vmem_shared>>
        tpu.wait_indirect_dma semaphore(%arg13 : memref<!tpu.dma_semaphore, #tpu.memory_space<semaphore_mem>>) src(%dma_wait3A_85 : memref<10000x64xf32, #tpu.memory_space<vmem_shared>>) dst(%arg9 : memref<80x64xf32, #tpu.memory_space<vmem>>)
        %dma_start3A_86 = arith.constant 0 : i32
        %dma_start3A_87 = tpu.memref_slice %arg7[%scan3A_68, %dma_start3A_86] : memref<125x80xi32, #tpu.memory_space<vmem>> -> memref<1x80xi32, #tpu.memory_space<vmem>>
        %dma_start3A_88 = tpu.memref_squeeze %dma_start3A_87 : memref<1x80xi32, #tpu.memory_space<vmem>> -> memref<80xi32, #tpu.memory_space<vmem>>
        %dma_start3A_89 = arith.constant 0 : i32
        %dma_start3A_90 = arith.constant 0 : i32
        %dma_start3A_91 = tpu.memref_slice %arg11[%dma_start3A_89, %dma_start3A_90] : memref<10000x64xf32, #tpu.memory_space<vmem_shared>> -> memref<10000x64xf32, #tpu.memory_space<vmem_shared>>
        tpu.enqueue_indirect_dma source(%arg9 : memref<80x64xf32, #tpu.memory_space<vmem>>) target(%dma_start3A_91 : memref<10000x64xf32, #tpu.memory_space<vmem_shared>>) offsets(%dma_start3A_88 : memref<80xi32, #tpu.memory_space<vmem>>) semaphore(%arg15 : memref<!tpu.dma_semaphore, #tpu.memory_space<semaphore_mem>>) {add = true}
        %add3A_92 = arith.constant 1 : i32
        %add3A_93 = arith.addi %scan3A_68, %add3A_92 : i32
        %lt3A = arith.constant 125 : i32
        %lt3A_94 = arith.cmpi slt, %add3A_93, %lt3A : i32
        %convert_element_type3A_95 = arith.extui %lt3A_94 : i1 to i32
        %cond3A_96 = arith.constant 0 : i32
        %cond3A_97 = arith.cmpi ne, %convert_element_type3A_95, %cond3A_96 : i32
        scf.if %cond3A_97 {
          %ge3A = arith.constant 1 : i32
          %ge3A_98 = arith.cmpi sge, %scan3A_68, %ge3A : i32
          %convert_element_type3A_99 = arith.extui %ge3A_98 : i1 to i32
          %cond3A_100 = arith.constant 0 : i32
          %cond3A_101 = arith.cmpi ne, %convert_element_type3A_99, %cond3A_100 : i32
          scf.if %cond3A_101 {
            %sub3A = arith.constant 1 : i32
            %sub3A_110 = arith.subi %scan3A_68, %sub3A : i32
            %dma_wait3A_111 = arith.constant 0 : i32
            %dma_wait3A_112 = tpu.memref_slice %arg7[%sub3A_110, %dma_wait3A_111] : memref<125x80xi32, #tpu.memory_space<vmem>> -> memref<1x80xi32, #tpu.memory_space<vmem>>
            %dma_wait3A_113 = tpu.memref_squeeze %dma_wait3A_112 : memref<1x80xi32, #tpu.memory_space<vmem>> -> memref<80xi32, #tpu.memory_space<vmem>>
            %dma_wait3A_114 = arith.constant 0 : i32
            %dma_wait3A_115 = arith.constant 0 : i32
            %dma_wait3A_116 = tpu.memref_slice %arg11[%dma_wait3A_114, %dma_wait3A_115] : memref<10000x64xf32, #tpu.memory_space<vmem_shared>> -> memref<10000x64xf32, #tpu.memory_space<vmem_shared>>
            tpu.wait_indirect_dma semaphore(%arg14 : memref<!tpu.dma_semaphore, #tpu.memory_space<semaphore_mem>>) src(%arg8 : memref<80x64xf32, #tpu.memory_space<vmem>>) dst(%dma_wait3A_116 : memref<10000x64xf32, #tpu.memory_space<vmem_shared>>)
          } else {
          }
          %add3A_102 = arith.constant 1 : i32
          %add3A_103 = arith.addi %scan3A_68, %add3A_102 : i32
          %dma_start3A_104 = arith.constant 0 : i32
          %dma_start3A_105 = tpu.memref_slice %arg6[%add3A_103, %dma_start3A_104] : memref<125x80xi32, #tpu.memory_space<vmem>> -> memref<1x80xi32, #tpu.memory_space<vmem>>
          %dma_start3A_106 = tpu.memref_squeeze %dma_start3A_105 : memref<1x80xi32, #tpu.memory_space<vmem>> -> memref<80xi32, #tpu.memory_space<vmem>>
          %dma_start3A_107 = arith.constant 0 : i32
          %dma_start3A_108 = arith.constant 0 : i32
          %dma_start3A_109 = tpu.memref_slice %arg16[%dma_start3A_107, %dma_start3A_108] : memref<10000x64xf32, #tpu.memory_space<vmem_shared>> -> memref<10000x64xf32, #tpu.memory_space<vmem_shared>>
          tpu.enqueue_indirect_dma source(%dma_start3A_109 : memref<10000x64xf32, #tpu.memory_space<vmem_shared>>) target(%arg8 : memref<80x64xf32, #tpu.memory_space<vmem>>) offsets(%dma_start3A_106 : memref<80xi32, #tpu.memory_space<vmem>>) semaphore(%arg12 : memref<!tpu.dma_semaphore, #tpu.memory_space<semaphore_mem>>)
        } else {
        }
      } else {
      }
    }
    %scan3A_43 = arith.constant 125 : i32
    %dma_wait3A = arith.constant 123 : i32
    %dma_wait3A_44 = arith.constant 0 : i32
    %dma_wait3A_45 = tpu.memref_slice %arg7[%dma_wait3A, %dma_wait3A_44] : memref<125x80xi32, #tpu.memory_space<vmem>> -> memref<1x80xi32, #tpu.memory_space<vmem>>
    %dma_wait3A_46 = tpu.memref_squeeze %dma_wait3A_45 : memref<1x80xi32, #tpu.memory_space<vmem>> -> memref<80xi32, #tpu.memory_space<vmem>>
    %dma_wait3A_47 = arith.constant 0 : i32
    %dma_wait3A_48 = arith.constant 0 : i32
    %dma_wait3A_49 = tpu.memref_slice %arg11[%dma_wait3A_47, %dma_wait3A_48] : memref<10000x64xf32, #tpu.memory_space<vmem_shared>> -> memref<10000x64xf32, #tpu.memory_space<vmem_shared>>
    tpu.wait_indirect_dma semaphore(%arg15 : memref<!tpu.dma_semaphore, #tpu.memory_space<semaphore_mem>>) src(%arg9 : memref<80x64xf32, #tpu.memory_space<vmem>>) dst(%dma_wait3A_49 : memref<10000x64xf32, #tpu.memory_space<vmem_shared>>)
    %dma_wait3A_50 = arith.constant 124 : i32
    %dma_wait3A_51 = arith.constant 0 : i32
    %dma_wait3A_52 = tpu.memref_slice %arg7[%dma_wait3A_50, %dma_wait3A_51] : memref<125x80xi32, #tpu.memory_space<vmem>> -> memref<1x80xi32, #tpu.memory_space<vmem>>
    %dma_wait3A_53 = tpu.memref_squeeze %dma_wait3A_52 : memref<1x80xi32, #tpu.memory_space<vmem>> -> memref<80xi32, #tpu.memory_space<vmem>>
    %dma_wait3A_54 = arith.constant 0 : i32
    %dma_wait3A_55 = arith.constant 0 : i32
    %dma_wait3A_56 = tpu.memref_slice %arg11[%dma_wait3A_54, %dma_wait3A_55] : memref<10000x64xf32, #tpu.memory_space<vmem_shared>> -> memref<10000x64xf32, #tpu.memory_space<vmem_shared>>
    tpu.wait_indirect_dma semaphore(%arg14 : memref<!tpu.dma_semaphore, #tpu.memory_space<semaphore_mem>>) src(%arg8 : memref<80x64xf32, #tpu.memory_space<vmem>>) dst(%dma_wait3A_56 : memref<10000x64xf32, #tpu.memory_space<vmem_shared>>)
    %barrier3A_57 = arith.constant 0 : index
    tpu.barrier barrier_id(%barrier3A_57)
    %while3A_58 = arith.constant 0 : i32
    %while3A_59 = arith.constant 0 : i32
    %while3A_60 = arith.subi %select_n3A, %while3A_59 : i32
    %while3A_61 = arith.addi %while3A_59, %while3A_60 : i32
    %while3A_62 = arith.constant 1 : i32
    %while3A_63 = arith.divsi %while3A_60, %while3A_62 : i32
    %while3A_64 = arith.muli %while3A_63, %while3A_62 : i32
    %while3A_65 = arith.addi %while3A_59, %while3A_64 : i32
    %while3A_66 = arith.constant 1 : i32
    scf.for %while3A_68 = %while3A_59 to %while3A_65 step %while3A_66  : i32 {
      %mul3A_69 = arith.constant 80 : i32
      %mul3A_70 = arith.muli %while3A_68, %mul3A_69 : i32
      %add3A_71 = arith.addi %mul3A_8, %mul3A_70 : i32
      "tpu.region"() ({
        %run_scoped3A = tpu.sem_alloc : memref<!tpu.dma_semaphore, #tpu.memory_space<semaphore_mem>>
        %dma_start3A_72 = arith.constant 0 : i32
        %dma_start3A_73 = tpu.memref_slice %arg5[%arg0, %add3A_71, %dma_start3A_72] : memref<2x10000x64xf32, #tpu.memory_space<hbm>> -> memref<1x80x64xf32, #tpu.memory_space<hbm>>
        %dma_start3A_74 = tpu.memref_squeeze %dma_start3A_73 : memref<1x80x64xf32, #tpu.memory_space<hbm>> -> memref<80x64xf32, #tpu.memory_space<hbm>>
        %dma_start3A_75 = arith.constant 0 : i32
        %dma_start3A_76 = tpu.memref_slice %arg11[%add3A_71, %dma_start3A_75] : memref<10000x64xf32, #tpu.memory_space<vmem_shared>> -> memref<80x64xf32, #tpu.memory_space<vmem_shared>>
        tpu.enqueue_dma source(%dma_start3A_76 : memref<80x64xf32, #tpu.memory_space<vmem_shared>>) target(%dma_start3A_74 : memref<80x64xf32, #tpu.memory_space<hbm>>) target_semaphore(%run_scoped3A : memref<!tpu.dma_semaphore, #tpu.memory_space<semaphore_mem>>)
        %dma_wait3A_77 = arith.constant 0 : i32
        %dma_wait3A_78 = tpu.memref_slice %arg5[%arg0, %add3A_71, %dma_wait3A_77] : memref<2x10000x64xf32, #tpu.memory_space<hbm>> -> memref<1x80x64xf32, #tpu.memory_space<hbm>>
        %dma_wait3A_79 = tpu.memref_squeeze %dma_wait3A_78 : memref<1x80x64xf32, #tpu.memory_space<hbm>> -> memref<80x64xf32, #tpu.memory_space<hbm>>
        %dma_wait3A_80 = arith.constant 0 : i32
        %dma_wait3A_81 = tpu.memref_slice %arg11[%add3A_71, %dma_wait3A_80] : memref<10000x64xf32, #tpu.memory_space<vmem_shared>> -> memref<80x64xf32, #tpu.memory_space<vmem_shared>>
        tpu.wait_dma2 semaphore(%run_scoped3A : memref<!tpu.dma_semaphore, #tpu.memory_space<semaphore_mem>>) src(%dma_wait3A_81 : memref<80x64xf32, #tpu.memory_space<vmem_shared>>) dst(%dma_wait3A_79 : memref<80x64xf32, #tpu.memory_space<hbm>>)
        tpu.yield
      }) : () -> ()
    }
    %while3A_67 = arith.constant 1 : i32
    scf.for %while3A_68 = %while3A_65 to %while3A_61 step %while3A_67  : i32 {
      %mul3A_69 = arith.constant 80 : i32
      %mul3A_70 = arith.muli %while3A_68, %mul3A_69 : i32
      %add3A_71 = arith.addi %mul3A_8, %mul3A_70 : i32
      "tpu.region"() ({
        %run_scoped3A = tpu.sem_alloc : memref<!tpu.dma_semaphore, #tpu.memory_space<semaphore_mem>>
        %dma_start3A_72 = arith.constant 0 : i32
        %dma_start3A_73 = tpu.memref_slice %arg5[%arg0, %add3A_71, %dma_start3A_72] : memref<2x10000x64xf32, #tpu.memory_space<hbm>> -> memref<1x80x64xf32, #tpu.memory_space<hbm>>
        %dma_start3A_74 = tpu.memref_squeeze %dma_start3A_73 : memref<1x80x64xf32, #tpu.memory_space<hbm>> -> memref<80x64xf32, #tpu.memory_space<hbm>>
        %dma_start3A_75 = arith.constant 0 : i32
        %dma_start3A_76 = tpu.memref_slice %arg11[%add3A_71, %dma_start3A_75] : memref<10000x64xf32, #tpu.memory_space<vmem_shared>> -> memref<80x64xf32, #tpu.memory_space<vmem_shared>>
        tpu.enqueue_dma source(%dma_start3A_76 : memref<80x64xf32, #tpu.memory_space<vmem_shared>>) target(%dma_start3A_74 : memref<80x64xf32, #tpu.memory_space<hbm>>) target_semaphore(%run_scoped3A : memref<!tpu.dma_semaphore, #tpu.memory_space<semaphore_mem>>)
        %dma_wait3A_77 = arith.constant 0 : i32
        %dma_wait3A_78 = tpu.memref_slice %arg5[%arg0, %add3A_71, %dma_wait3A_77] : memref<2x10000x64xf32, #tpu.memory_space<hbm>> -> memref<1x80x64xf32, #tpu.memory_space<hbm>>
        %dma_wait3A_79 = tpu.memref_squeeze %dma_wait3A_78 : memref<1x80x64xf32, #tpu.memory_space<hbm>> -> memref<80x64xf32, #tpu.memory_space<hbm>>
        %dma_wait3A_80 = arith.constant 0 : i32
        %dma_wait3A_81 = tpu.memref_slice %arg11[%add3A_71, %dma_wait3A_80] : memref<10000x64xf32, #tpu.memory_space<vmem_shared>> -> memref<80x64xf32, #tpu.memory_space<vmem_shared>>
        tpu.wait_dma2 semaphore(%run_scoped3A : memref<!tpu.dma_semaphore, #tpu.memory_space<semaphore_mem>>) src(%dma_wait3A_81 : memref<80x64xf32, #tpu.memory_space<vmem_shared>>) dst(%dma_wait3A_79 : memref<80x64xf32, #tpu.memory_space<hbm>>)
        tpu.yield
      }) : () -> ()
    }
    return
  }
}

module attributes {stable_mosaic.version = 14 : i64} {
  func.func @_fuse_body(%arg0: i32, %arg1: memref<2x1000x128xf32, #tpu.memory_space<vmem>>, %arg2: memref<128x128xf32, #tpu.memory_space<vmem>>, %arg3: memref<1x128xf32, #tpu.memory_space<vmem>>, %arg4: memref<128x64xf32, #tpu.memory_space<vmem>>, %arg5: memref<1000x64xf32, #tpu.memory_space<vmem>>) attributes {dimension_semantics = [#tpu.dimension_semantics<arbitrary>], iteration_bounds = array<i64: 10>, scalar_prefetch = 0 : i64, scratch_operands = 0 : i64, tpu.core_type = #tpu.core_type<tc>, window_params = [{transform_indices = @transform_0, window_bounds = array<i64: 2, 1000, 128>}, {pipeline_mode = #tpu.pipeline_mode<synchronous>, transform_indices = @transform_1, window_bounds = array<i64: 128, 128>}, {pipeline_mode = #tpu.pipeline_mode<synchronous>, transform_indices = @transform_2, window_bounds = array<i64: 1, 128>}, {pipeline_mode = #tpu.pipeline_mode<synchronous>, transform_indices = @transform_3, window_bounds = array<i64: 128, 64>}, {transform_indices = @transform_4, window_bounds = array<i64: 1000, 64>}]} {
    %get3A = arith.constant 0 : index
    %get3A_0 = arith.constant 0 : index
    %get3A_1 = arith.constant 0 : index
    %get3A_2 = vector.load %arg1[%get3A, %get3A_0, %get3A_1] : memref<2x1000x128xf32, #tpu.memory_space<vmem>>, vector<1x1000x128xf32>
    %get3A_3 = vector.shape_cast %get3A_2 : vector<1x1000x128xf32> to vector<1000x128xf32>
    %get3A_4 = arith.constant 1 : index
    %get3A_5 = arith.constant 0 : index
    %get3A_6 = arith.constant 0 : index
    %get3A_7 = vector.load %arg1[%get3A_4, %get3A_5, %get3A_6] : memref<2x1000x128xf32, #tpu.memory_space<vmem>>, vector<1x1000x128xf32>
    %get3A_8 = vector.shape_cast %get3A_7 : vector<1x1000x128xf32> to vector<1000x128xf32>
    %add3A = arith.addf %get3A_3, %get3A_8 : vector<1000x128xf32>
    %get3A_9 = arith.constant 0 : index
    %get3A_10 = arith.constant 0 : index
    %get3A_11 = vector.load %arg2[%get3A_9, %get3A_10] : memref<128x128xf32, #tpu.memory_space<vmem>>, vector<128x128xf32>
    %dot_general3A = arith.constant dense<0.000000e+00> : vector<1000x128xf32>
    %dot_general3A_12 = tpu.matmul %add3A, %get3A_11, %dot_general3A {dimension_numbers = #tpu.dot_dimension_numbers<[1], [0], [0], [1], [0, 0, 1, 1], [], []>, transpose_lhs_hint = false} : vector<1000x128xf32>, vector<128x128xf32>, vector<1000x128xf32> -> vector<1000x128xf32>
    %get3A_13 = arith.constant 0 : index
    %get3A_14 = arith.constant 0 : index
    %get3A_15 = vector.load %arg3[%get3A_13, %get3A_14] : memref<1x128xf32, #tpu.memory_space<vmem>>, vector<1x128xf32>
    %add3A_16 = vector.broadcast %get3A_15 : vector<1x128xf32> to vector<1000x128xf32>
    %add3A_17 = arith.addf %dot_general3A_12, %add3A_16 : vector<1000x128xf32>
    %max3A = arith.constant 0.000000e+00 : f32
    %max3A_18 = vector.broadcast %max3A : f32 to vector<1000x128xf32>
    %max3A_19 = arith.maximumf %add3A_17, %max3A_18 : vector<1000x128xf32>
    %get3A_20 = arith.constant 0 : index
    %get3A_21 = arith.constant 0 : index
    %get3A_22 = vector.load %arg4[%get3A_20, %get3A_21] : memref<128x64xf32, #tpu.memory_space<vmem>>, vector<128x64xf32>
    %dot_general3A_23 = arith.constant dense<0.000000e+00> : vector<1000x64xf32>
    %dot_general3A_24 = tpu.matmul %max3A_19, %get3A_22, %dot_general3A_23 {dimension_numbers = #tpu.dot_dimension_numbers<[1], [0], [0], [1], [0, 0, 1, 1], [], []>, transpose_lhs_hint = false} : vector<1000x128xf32>, vector<128x64xf32>, vector<1000x64xf32> -> vector<1000x64xf32>
    %swap3A = arith.constant 0 : index
    %swap3A_25 = arith.constant 0 : index
    %swap3A_26 = vector.load %arg5[%swap3A, %swap3A_25] : memref<1000x64xf32, #tpu.memory_space<vmem>>, vector<1000x64xf32>
    tpu.vector_store %arg5[%swap3A, %swap3A_25], %dot_general3A_24 {strides = array<i32>} : memref<1000x64xf32, #tpu.memory_space<vmem>>, vector<1000x64xf32>,
    return
  }
  func.func @transform_0(%arg0: i32) -> (i32, i32, i32) {
    %c0_i32 = arith.constant 0 : i32
    %c0_i32_0 = arith.constant 0 : i32
    %c0_i32_1 = arith.constant 0 : i32
    return %c0_i32, %arg0, %c0_i32_0 : i32, i32, i32
  }
  func.func @transform_1(%arg0: i32) -> (i32, i32) {
    %c0_i32 = arith.constant 0 : i32
    %c0_i32_0 = arith.constant 0 : i32
    %c0_i32_1 = arith.constant 0 : i32
    return %c0_i32, %c0_i32_0 : i32, i32
  }
  func.func @transform_2(%arg0: i32) -> (i32, i32) {
    %c0_i32 = arith.constant 0 : i32
    %c0_i32_0 = arith.constant 0 : i32
    %c0_i32_1 = arith.constant 0 : i32
    return %c0_i32, %c0_i32_0 : i32, i32
  }
  func.func @transform_3(%arg0: i32) -> (i32, i32) {
    %c0_i32 = arith.constant 0 : i32
    %c0_i32_0 = arith.constant 0 : i32
    %c0_i32_1 = arith.constant 0 : i32
    return %c0_i32, %c0_i32_0 : i32, i32
  }
  func.func @transform_4(%arg0: i32) -> (i32, i32) {
    %c0_i32 = arith.constant 0 : i32
    %c0_i32_0 = arith.constant 0 : i32
    return %arg0, %c0_i32 : i32, i32
  }
}

module attributes {stable_mosaic.version = 14 : i64} {
  func.func @_lsm_body(%arg0: i32, %arg1: memref<2x1000x64xf32, #tpu.memory_space<vmem>>, %arg2: memref<1x64xf32, #tpu.memory_space<vmem>>, %arg3: memref<1000x64xf32, #tpu.memory_space<vmem>>) attributes {dimension_semantics = [#tpu.dimension_semantics<arbitrary>], iteration_bounds = array<i64: 10>, scalar_prefetch = 0 : i64, scratch_operands = 0 : i64, tpu.core_type = #tpu.core_type<tc>, window_params = [{transform_indices = @transform_0, window_bounds = array<i64: 2, 1000, 64>}, {pipeline_mode = #tpu.pipeline_mode<synchronous>, transform_indices = @transform_1, window_bounds = array<i64: 1, 64>}, {transform_indices = @transform_2, window_bounds = array<i64: 1000, 64>}]} {
    %get3A = arith.constant 0 : index
    %get3A_0 = arith.constant 0 : index
    %get3A_1 = arith.constant 0 : index
    %get3A_2 = vector.load %arg1[%get3A, %get3A_0, %get3A_1] : memref<2x1000x64xf32, #tpu.memory_space<vmem>>, vector<1x1000x64xf32>
    %get3A_3 = vector.shape_cast %get3A_2 : vector<1x1000x64xf32> to vector<1000x64xf32>
    %get3A_4 = arith.constant 1 : index
    %get3A_5 = arith.constant 0 : index
    %get3A_6 = arith.constant 0 : index
    %get3A_7 = vector.load %arg1[%get3A_4, %get3A_5, %get3A_6] : memref<2x1000x64xf32, #tpu.memory_space<vmem>>, vector<1x1000x64xf32>
    %get3A_8 = vector.shape_cast %get3A_7 : vector<1x1000x64xf32> to vector<1000x64xf32>
    %add3A = arith.addf %get3A_3, %get3A_8 : vector<1000x64xf32>
    %get3A_9 = arith.constant 0 : index
    %get3A_10 = arith.constant 0 : index
    %get3A_11 = vector.load %arg2[%get3A_9, %get3A_10] : memref<1x64xf32, #tpu.memory_space<vmem>>, vector<1x64xf32>
    %add3A_12 = vector.broadcast %get3A_11 : vector<1x64xf32> to vector<1000x64xf32>
    %add3A_13 = arith.addf %add3A, %add3A_12 : vector<1000x64xf32>
    %reduce_max3A = arith.constant dense<0xFF800000> : vector<1000xf32>
    %reduce_max3A_14 = vector.multi_reduction <maximumf>, %add3A_13, %reduce_max3A [1] : vector<1000x64xf32> to vector<1000xf32>
    %broadcast_in_dim3A = vector.shape_cast %reduce_max3A_14 : vector<1000xf32> to vector<1000x1xf32>
    %sub3A = vector.broadcast %broadcast_in_dim3A : vector<1000x1xf32> to vector<1000x64xf32>
    %sub3A_15 = arith.subf %add3A_13, %sub3A : vector<1000x64xf32>
    %exp3A = math.exp %sub3A_15 : vector<1000x64xf32>
    %reduce_sum3A = arith.constant dense<0.000000e+00> : vector<1000xf32>
    %reduce_sum3A_16 = vector.multi_reduction <add>, %exp3A, %reduce_sum3A [1] : vector<1000x64xf32> to vector<1000xf32>
    %broadcast_in_dim3A_17 = vector.shape_cast %reduce_sum3A_16 : vector<1000xf32> to vector<1000x1xf32>
    %sub3A_18 = vector.broadcast %broadcast_in_dim3A : vector<1000x1xf32> to vector<1000x64xf32>
    %sub3A_19 = arith.subf %add3A_13, %sub3A_18 : vector<1000x64xf32>
    %log3A = math.log %broadcast_in_dim3A_17 : vector<1000x1xf32>
    %sub3A_20 = vector.broadcast %log3A : vector<1000x1xf32> to vector<1000x64xf32>
    %sub3A_21 = arith.subf %sub3A_19, %sub3A_20 : vector<1000x64xf32>
    %swap3A = arith.constant 0 : index
    %swap3A_22 = arith.constant 0 : index
    %swap3A_23 = vector.load %arg3[%swap3A, %swap3A_22] : memref<1000x64xf32, #tpu.memory_space<vmem>>, vector<1000x64xf32>
    tpu.vector_store %arg3[%swap3A, %swap3A_22], %sub3A_21 {strides = array<i32>} : memref<1000x64xf32, #tpu.memory_space<vmem>>, vector<1000x64xf32>,
    return
  }
  func.func @transform_0(%arg0: i32) -> (i32, i32, i32) {
    %c0_i32 = arith.constant 0 : i32
    %c0_i32_0 = arith.constant 0 : i32
    %c0_i32_1 = arith.constant 0 : i32
    return %c0_i32, %arg0, %c0_i32_0 : i32, i32, i32
  }
  func.func @transform_1(%arg0: i32) -> (i32, i32) {
    %c0_i32 = arith.constant 0 : i32
    %c0_i32_0 = arith.constant 0 : i32
    %c0_i32_1 = arith.constant 0 : i32
    return %c0_i32, %c0_i32_0 : i32, i32
  }
  func.func @transform_2(%arg0: i32) -> (i32, i32) {
    %c0_i32 = arith.constant 0 : i32
    %c0_i32_0 = arith.constant 0 : i32
    return %arg0, %c0_i32 : i32, i32
  }
}

</mosaic_0001>

<sc_bundles>
// kernel: kernel.6.cloned.1.call-start
scs
__scs_entry_jumppad:
0x0: {  	(pc) =	sbr.rel $0x88, $3  }
0x1: {  	(tag) =	ssettag $0x0;
	lr =	simm.s32 $0x1  }
0x2: {  	[smem:$0x3F9B] =	sst lr;
	_ =	strace $0xD0000000  }
0x3: {  	_ = 	snop  }
0x4: {  	_ = 	snop  }
0x5: {  	_ = 	snop  }
0x6: {  	_ = 	snop  }
0x7: {  	_ = 	snop  }
__scs_overlays_trampoline_lowered:
0x8: {  	[smem:$0x3FAA] =	sst s0  }
0x9: {  	[smem:$0x3FAB] =	sst s1  }
0xa: {  	[smem:$0x3FAC] =	sst s2  }
0xb: {  	[smem:$0x3FAD] =	sst s3  }
0xc: {  	[smem:$0x3FAE] =	sst s4  }
0xd: {  	[smem:$0x3FAF] =	sst s5  }
0xe: {  	[smem:$0x3FB0] =	sst s6  }
0xf: {  	[smem:$0x3FB1] =	sst s7  }
0x10: {  	[smem:$0x3FB2] =	sst s8  }
0x11: {  	[smem:$0x3FB3] =	sst s9;
	s0 =	simm.s32 @!p0 $0x0  }
0x12: {  	s1 =	sld [smem:$0x3F99];
	s0 =	simm.s32 @p0 $0x1  }
0x13: {  	[smem:$0x3FB4] =	sst s0;
	s0 =	simm.s32 @!p1 $0x0  }
0x14: {  	s2 =	sld [smem:$0x3F98];
	s0 =	simm.s32 @p1 $0x1  }
0x15: {  	[smem:$0x3FB5] =	sst s0;
	s0 =	simm.s32 @!p2 $0x0  }
0x16: {  	s3 =	sld [smem:$0x3FDB];
	s0 =	simm.s32 @p2 $0x1  }
0x17: {  	s4 =	simm.s32 $0x1BF5;
	[smem:$0x3FB7] =	sst s0  }
0x18: {  	s0 =	sld [smem:$0x3F9A];
	_ =	swait.ge [sflag:s4], $0x0  }
0x19: {  	s7 =	sld [smem:$0x3F9B]  }
0x1a: {  	s8 =	sadd.s32 $0xFFFFE003, lr  }
0x1b: {  	s9 =	sadd.s32 $0xFFFFFEF7, lr;
	s5 =	simm.s32 $0xFFFFFFFF;
	p2 =	slt.u32 s8, $0xFFFFF086  }
0x1c: {  	p1 =	slt.u32 s9, $0xF7A;
	s5 =	simm.s32 @!p2 $0x0  }
0x1d: {  	s5 =	simm.s32 @p1 $0x1;
	p0 =	seq.s32 s7, s2  }
0x1e: {  	s7 =	smul.u32 @!p0 $0xF7A, s2;
	p2 =	seq.s32 @!p0 s5, $0x0  }
0x1f: {  	s9 =	smul.u32 $0xF7A, s1;
	s8 =	simm.s32 @!p0 $0x1BF5;
	p2 =	por !p2, p0  }
0x20: {  	[sflag:s8] =	ssyncset.s32 @!p0 $0xFFFFF086;
	s6 =	sadd.s32 @!p0 s3, s7;
	s7 =	simm.s32 @!p0 $0x108  }
0x21: {  	s3 =	sadd.s32 s3, s9;
	s6 =	sadd.s32 @!p0 $0x88, s6;
	s7 =	simm.s32 @p2 $0x1082  }
0x22: {  	[simem:s7], [sflag:s8] =	dma.local @!p0 [hbm:s6], $0xF7A  }
0x23: {  	s9 =	sor.u32 $0xD0000000, s2;
	s6 =	simm.s32 $0x108;
	_ =	swait.ge @!p0 [sflag:s8], $0x0  }
0x24: {  	s3 =	sadd.s32 $0x88, s3;
	s6 =	simm.s32 @!p1 $0x1082;
	[sflag:s4] =	ssyncset.s32 $0xFFFFF086  }
0x25: {  	[simem:s6], [sflag:s4] =	dma.local [hbm:s3], $0xF7A  }
0x26: {  	[smem:$0x3F9B] =	sst s1;
	(tag) =	ssettag s2;
	_ =	strace s9  }
0x27: {  	s1 =	sld [smem:$0x3FAB]  }
0x28: {  	s2 =	sld [smem:$0x3FAC]  }
0x29: {  	s4 =	sld [smem:$0x3FAE]  }
0x2a: {  	p0 =	seq.s32 s5, $0x0;
	s5 =	sld [smem:$0x3FAF]  }
0x2b: {  	s6 =	sld [smem:$0x3FB0]  }
0x2c: {  	s7 =	sld [smem:$0x3FB1]  }
0x2d: {  	s3 =	simm.s32 $0x108;
	s8 =	sld [smem:$0x3FB2]  }
0x2e: {  	s3 =	simm.s32 @!p0 $0x1082;
	s9 =	sld [smem:$0x3FB3]  }
0x2f: {  	lr =	sadd.s32 s0, s3;
	s0 =	sld [smem:$0x3FAA]  }
0x30: {  	s3 =	sld [smem:$0x3FAD]  }
0x31: {  	[smem:$0x3FB6] =	sst s10  }
0x32: {  	s10 =	sld [smem:$0x3FB4];
	_ =	sdelay $0x3  }
0x33: {  	p0 =	seq.s32 s10, $0x1;
	s10 =	sld [smem:$0x3FB6];
	_ =	sdelay $0x3  }
0x34: {  	[smem:$0x3FB6] =	sst s10  }
0x35: {  	s10 =	sld [smem:$0x3FB5];
	_ =	sdelay $0x3  }
0x36: {  	p1 =	seq.s32 s10, $0x1;
	s10 =	sld [smem:$0x3FB6];
	_ =	sdelay $0x3  }
0x37: {  	[smem:$0x3FB6] =	sst s10  }
0x38: {  	s10 =	sld [smem:$0x3FB7]  }
0x39: {  	_ = 	snop;
	(pc) =	sbr.ind lr, $3  }
0x3a: {  	_ = 	snop  }
0x3b: {  	_ = 	snop  }
0x3c: {  	p2 =	seq.s32 s10, $0x1;
	s10 =	sld [smem:$0x3FB6]  }
0x3d: {  	_ =	shalt  }
0x3e: {  	_ =	shalt  }
0x3f: {  	_ =	shalt  }
0x40: {  	_ =	shalt  }
0x41: {  	_ =	shalt  }
0x42: {  	_ =	shalt  }
0x43: {  	_ =	shalt  }
0x44: {  	_ =	shalt  }
0x45: {  	_ =	shalt  }
0x46: {  	_ =	shalt  }
0x47: {  	_ =	shalt  }
0x48: {  	_ =	shalt  }
0x49: {  	_ =	shalt  }
0x4a: {  	_ =	shalt  }
0x4b: {  	_ =	shalt  }
0x4c: {  	_ =	shalt  }
0x4d: {  	_ =	shalt  }
0x4e: {  	_ =	shalt  }
0x4f: {  	_ =	shalt  }
0x50: {  	_ =	shalt  }
0x51: {  	_ =	shalt  }
0x52: {  	_ =	shalt  }
0x53: {  	_ =	shalt  }
0x54: {  	_ =	shalt  }
0x55: {  	_ =	shalt  }
0x56: {  	_ =	shalt  }
0x57: {  	_ =	shalt  }
0x58: {  	_ =	shalt  }
0x59: {  	_ =	shalt  }
0x5a: {  	_ =	shalt  }
0x5b: {  	_ =	shalt  }
0x5c: {  	_ =	shalt  }
0x5d: {  	_ =	shalt  }
0x5e: {  	_ =	shalt  }
0x5f: {  	_ =	shalt  }
0x60: {  	_ =	shalt  }
0x61: {  	_ =	shalt  }
0x62: {  	_ =	shalt  }
0x63: {  	_ =	shalt  }
0x64: {  	_ =	shalt  }
0x65: {  	_ =	shalt  }
0x66: {  	_ =	shalt  }
0x67: {  	_ =	shalt  }
0x68: {  	_ =	shalt  }
0x69: {  	_ =	shalt  }
0x6a: {  	_ =	shalt  }
0x6b: {  	_ =	shalt  }
0x6c: {  	_ =	shalt  }
0x6d: {  	_ =	shalt  }
0x6e: {  	_ =	shalt  }
0x6f: {  	_ =	shalt  }
0x70: {  	_ =	shalt  }
0x71: {  	_ =	shalt  }
0x72: {  	_ =	shalt  }
0x73: {  	_ =	shalt  }
0x74: {  	_ =	shalt  }
0x75: {  	_ =	shalt  }
0x76: {  	_ =	shalt  }
0x77: {  	_ =	shalt  }
0x78: {  	_ =	shalt  }
0x79: {  	_ =	shalt  }
0x7a: {  	_ =	shalt  }
0x7b: {  	_ =	shalt  }
0x7c: {  	_ =	shalt  }
0x7d: {  	_ =	shalt  }
0x7e: {  	_ =	shalt  }
0x7f: {  	_ =	shalt  }
0x80: {  	_ =	shalt  }
0x81: {  	_ =	shalt  }
0x82: {  	_ =	shalt  }
0x83: {  	_ =	shalt  }
0x84: {  	_ =	shalt  }
0x85: {  	_ =	shalt  }
0x86: {  	_ =	shalt  }
0x87: {  	_ =	shalt  }
.Lfunc_end0:
.L_simem_size_0:
called_computation_lowered:
.L_overlay_start_0:
0x88: {  	s2 =	sld [smem:$0x3FD9]  }
0x89: {  	s3 =	sld [smem:$0x3FFE];
	_ =	sdelay $0x1  }
0x8a: {  	s1 =	srdreg.scid  }
0x8b: {  	s0 =	sand.u32 $0x1, s1  }
0x8c: {  	s17 =	sshll.u32 s0, $0xA;
	s2 =	sadd.s32 s3, s2  }
0x8d: {  	s2 =	sadd.s32 s2, s17  }
0x8e: {  	[smem:$0x3FC2] =	sst s2  }
0x8f: {  	_ = 	snop  }
0x90: {  	s2 =	sld [smem:$0x3FC9];
	(tm) =	ssettm $0x1  }
0x91: {  	s18 =	sld [smem:$0x3FFB];
	_ =	sdelay $0x3  }
0x92: {  	_ =	strace s18  }
0x93: {  	s3 =	sld [smem:$0x3FFC];
	_ =	sdelay $0x3  }
0x94: {  	_ =	strace s3  }
0x95: {  	s3 =	sld [smem:$0x3FFD];
	_ =	sdelay $0x3  }
0x96: {  	_ =	strace s3  }
0x97: {  	_ =	strace $0x8FFFFFFF  }
0x98: {  	s19 =	sld [smem:$0x3FDB];
	_ =	sdelay $0x1  }
0x99: {  	s4 =	simm.s32 $_scs_section_size  }
0x9a: {  	s5 =	simm.s32 $_size__tile_overlayer_lowered;
	s6 =	simm.s32 $_tile_overlayer_lowered  }
0x9b: {  	s22 =	simm.s32 $0x1BFF;
	s21 =	sshll.u32 s6, $0x1;
	s3 =	sadd.s32 s4, s19  }
0x9c: {  	s7 =	simm.s32 $0x0;
	s20 =	sshll.u32 s5, $0x1;
	s5 =	sadd.s32 s21, s3  }
0x9d: {  	[timem:s7], [sflag:s22] =	dma.local [hbm:s5], s20  }
0x9e: {  	_ =	swait.ge [sflag:s22], s20  }
0x9f: {  	s4 =	ssub.s32 $0x0, s20;
	[sflag:s22] =	ssyncset.done $0x0  }
0xa0: {  	[sflag:s22] =	ssyncadd.s32 s4;
	_ =	sdelay $0x1  }
0xa1: {  	s23 =	simm.s32 $0x1B8B  }
0xa2: {  	_ =	swait.ge [sflag:s23], $0x1  }
0xa3: {  	[sflag:s23] =	ssyncset.done $0x0  }
0xa4: {  	s25 =	simm.s32 $0x1B8E;
	s24 =	sld [smem:$0x3FFE];
	[sflag:s23] =	ssyncadd.s32 $0xFFFFFFFF  }
0xa5: {  	s26 =	simm.s32 $execute0_lowered;
	[smem:$0x3FD2] =	sst s25  }
0xa6: {  	s5 =	sshll.u32 s26, $0x1;
	_ =	strace $0x80000046;
	[dreg:$0x1] =	wrdreg $0xFFFFFFFF  }
0xa7: {  	s28 =	simm.s32 $_size_execute0_lowered;
	s3 =	sadd.s32 s3, s5;
	[dreg:$0x0] =	wrdreg $0x0  }
0xa8: {  	s5 =	sshll.u32 s28, $0x1;
	[dreg:$0x2] =	wrdreg s3  }
0xa9: {  	[dreg:$0x3] =	wrdreg s5  }
0xaa: {  	[dreg:$0x4] =	wrdreg $0xC0  }
0xab: {  	_ =	task [dreg:s7], $0x5FFFF  }
0xac: {  	[dreg:$0x1] =	wrdreg $0xFFFFFFFF  }
0xad: {  	[dreg:$0x0] =	wrdreg $0x60  }
0xae: {  	[dreg:$0x2] =	wrdreg s2  }
0xaf: {  	[dreg:$0x3] =	wrdreg s24  }
0xb0: {  	[dreg:$0x4] =	wrdreg $0xC6200  }
0xb1: {  	[dreg:$0x5] =	wrdreg $0x9  }
0xb2: {  	_ =	task.clear_ibuf [dreg:s7], $0x6FFFF;
	_ =	strace $0x90000046  }
0xb3: {  	s29 =	simm.s32 $0x9;
	_ =	strace $0x80000048  }
0xb4: {  	_ =	swait.ge [sflag:s29], $0x1  }
0xb5: {  	[sflag:s29] =	ssyncadd.s32 $0xFFFFFFFF  }
0xb6: {  	_ =	strace $0x90000048  }
0xb7: {  	_ =	sfence  }
0xb8: {  	s30 =	sld [smem:$0x0];
	_ =	sdelay $0x2  }
0xb9: {  	s31 =	sshll.u32 s1, $0xD;
	s1 =	sshrl.u32 s1, $0x2  }
0xba: {  	s3 =	sand.u32 $0x4000, s31;
	s1 =	sadd.s32 s1, s30  }
0xbb: {  	s0 =	sor.u32 s3, s0;
	s1 =	sshll.u32 s1, $0x11  }
0xbc: {  	s0 =	sor.u32 s1, s0  }
0xbd: {  	s0 =	sadd.s32 $0x8F2B, s0  }
0xbe: {  	[sflag:s0] =	ssyncadd.remote.s32 $0x1  }
0xbf: {  	_ =	sfence.sel $0xFFFF  }
0xc0: {  	[dreg:$0x0] =	wrdreg $0xFFFFFFFF;
	(pc) =	sbr.abs _section_cstart, $3  }
0xc1: {  	[dreg:$0x1] =	wrdreg $0xFFFFFFFF  }
0xc2: {  	_ =	task.clear_ibuf [dreg:s7], $0x2FFFF;
	_ =	strace $0x9FFFFFFF  }
0xc3: {  	(tm) =	ssettm $0x7FFFFFFF  }
tec
execute0_lowered:
.L_overlay_start_1:
0x0: {  	(tag) =	ssettag $0x1  }
0x1: {  	s0 =	rddreg [dreg:$0x0]  }
0x2: {  	s1 =	srdreg.scid;
	s5 =	rddreg [dreg:$0x1]  }
0x3: {  	s3 =	rddreg [dreg:$0x2];
	s2 =	stileid.u32;
	s4 =	simm.s32 $0x0  }
0x4: {  	s15 =	simm.s32 $0x2;
	s16 =	simm.s32 $0x50;
	s17 =	simm.s32 $0x7620  }
0x5: {  	s18 =	simm.s32 $0x3;
	s19 =	simm.s32 $0x4;
	s20 =	simm.s32 $0x1  }
0x6: {  	s8 =	sand.u32 $0x1, s1;
	s1 =	rddreg [dreg:$0x3];
	s31 =	smul.u32 $0x50000, s2  }
0x7: {  	[smem:$0x7FF] =	sst s4;
	p0 =	seq.s32 s2, $0xF;
	s14 =	smul.u32 $0x14000, s2  }
0x8: {  	s6 =	sshll.u32 s8, $0x4;
	s7 =	ssub.s32 $0x2, s8;
	_ =	strace $0x80000047  }
0x9: {  	s12 =	smul.u32 $0x138800, s8;
	s6 =	sor.u32 s2, s6;
	s9 =	sshrl.u32 s7, $0x1  }
0xa: {  	s13 =	sshrl.u32 s31, $0x2;
	s6 =	smul.u32 $0x4E2, s6;
	s11 =	ssub.s32 s7, s9  }
0xb: {  	s7 =	simm.s32 $0x5;
	s12 =	sadd.s32 s14, s12;
	s14 =	simm.s32 $0x4E20  }
0xc: {  	s10 =	sadd.s32 s6, s5;
	s5 =	sadd.s32 $0x14600, s5;
	s6 =	simm.s32 $0x5  }
0xd: {  	s6 =	simm.s32 @!p0 $0x8;
	s8 =	sadd.s32 $0xA800, s10;
	s9 =	sadd.s32 $0xA00, s10  }
0xe: {  	v0 =	vimm.f32 $0.0e+00;
	s10 =	smax.u32 s11, $0x1;
	s11 =	sadd.s32 s13, s3;
	s13 =	simm.s32 $0x9E20  }
.LBB2_1:
0xf: {  	s21 =	simm.s32 $0x0;
	s22 =	simm.s32 $0x200  }
.LBB2_2:
0x10: {  	p0 =	sne.s32 s22, $0x9E00;
	[tilespmem:s21+$0x9E90] =	vst v0  }
0x11: {  	[tilespmem:s21+$0x9E20] =	vst v0  }
0x12: {  	[tilespmem:s21+$0x9E30] =	vst v0  }
.Ltmp0:
0x13: {  	[tilespmem:s21+$0x9E40] =	vst v0;
	(pc) =	sbr.rel @p0 .LBB2_2-.Ltmp0, $4  }
0x14: {  	[tilespmem:s21+$0x9E50] =	vst v0  }
0x15: {  	[tilespmem:s21+$0x9E60] =	vst v0  }
0x16: {  	[tilespmem:s21+$0x9E70] =	vst v0  }
0x17: {  	[tilespmem:s21+$0x9E80] =	vst v0;
	s21 =	sshra.s32 s22, $0x2;
	s22 =	sadd.s32 $0x200, s22  }
0x18: {  	[tilespmem:s21+$0x9E90] =	vst v0  }
0x19: {  	[tilespmem:s21+$0x9E20] =	vst v0  }
0x1a: {  	[tilespmem:s21+$0x9E30] =	vst v0  }
0x1b: {  	[tilespmem:s21+$0x9E40] =	vst v0  }
0x1c: {  	[tilespmem:s21+$0x9E50] =	vst v0  }
0x1d: {  	[tilespmem:s21+$0x9E60] =	vst v0;
	p0 =	sne.s32 s6, $0x1  }
.Ltmp1:
0x1e: {  	[tilespmem:s21+$0x9E70] =	vst v0;
	(pc) =	sbr.rel @!p0 .LBB2_5-.Ltmp1, $4  }
0x1f: {  	[tilespmem:s21+$0x9E80] =	vst v0  }
0x20: {  	[spmem:s11] =	stream.linear.scatter [tilespmem:s13], [sflag:$0x5], $0x2800, $0x38;
	[tilespmem:$0x1FEA0] =	vst v63  }
0x21: {  	_ =	swait.ge [sflag:s7], $0x2800  }
0x22: {  	s21 =	sadd.s32 $0xFFFFFFFF, s6;
	s22 =	smov.u32 s11;
	[sflag:s7] =	ssyncset.done $0x0  }
.LBB2_4:
0x23: {  	p1 =	sne.s32 s21, $0x1;
	[sflag:s7] =	ssyncadd.s32 $0xFFFFD800;
	s22 =	sadd.s32 $0x2800, s22  }
.Ltmp2:
0x24: {  	s21 =	sadd.s32 $0xFFFFFFFF, s21;
	(pc) =	sbr.rel @p1 .LBB2_4-.Ltmp2, $4  }
0x25: {  	_ = 	snop  }
0x26: {  	[spmem:s22] =	stream.linear.scatter [tilespmem:s13], [sflag:$0x5], $0x2800, $0x38;
	[tilespmem:$0x1FEA0] =	vst v63  }
0x27: {  	_ =	swait.ge [sflag:s7], $0x2800  }
0x28: {  	[sflag:s7] =	ssyncset.done $0x0  }
.LBB2_5:
0x29: {  	[sflag:s7] =	ssyncadd.s32 $0xFFFFD800;
	s21 =	simm.s32 $0x0  }
0x2a: {  	[tilespmem:s21], [sflag:$0x5] =	stream.linear.gather [hbm4b:s8+s21], $0x2710, $0x38;
	[tilespmem:$0x1FEA0] =	vst v63  }
0x2b: {  	_ =	swait.ge [sflag:s7], $0x2710  }
0x2c: {  	[sflag:s7] =	ssyncset.done $0x0  }
0x2d: {  	s22 =	simm.s32 $0x2710;
	[sflag:s7] =	ssyncadd.s32 $0xFFFFD8F0  }
0x2e: {  	[tilespmem:s22], [sflag:$0x5] =	stream.linear.gather [hbm4b:s9+s21], $0x2710, $0x38;
	[tilespmem:$0x1FEA0] =	vst v63  }
0x2f: {  	_ =	swait.ge [sflag:s7], $0x2710  }
.Ltmp3:
0x30: {  	[sflag:s7] =	ssyncset.done $0x0;
	(pc) =	sbr.rel .LBB2_6-.Ltmp3, $3  }
0x31: {  	s23 =	simm.s32 $0x50;
	[sflag:s7] =	ssyncadd.s32 $0xFFFFD8F0  }
0x32: {  	[tilespmem:s14], [sflag:$0x1] =	stream.indirect.gather [hbm4b:s0+s23], $0x80, s21, s23, $0xb8;
	[tilespmem:$0x1FEA0] =	vst v63  }
0x33: {  	[bflag:$0x0] =	sbarrier.arrive $0xFFFF;
	_ =	sdelay $0x1  }
.LBB2_11:
0x34: {  	_ =	swait.ge [sflag:s15], $0x2800  }
0x35: {  	[sflag:s15] =	ssyncset.done $0x0  }
0x36: {  	[sflag:s15] =	ssyncadd.s32 $0xFFFFD800  }
0x37: {  	[spmem:s3] =	stream.indirect.scatter.add.f32 [tilespmem:s17], [sflag:$0x4], $0x80, s22, s16, $0xb8;
	[tilespmem:$0x1FEA0] =	vst v63  }
0x38: {  	_ =	swait.ge [sflag:s18], $0x2800  }
0x39: {  	[sflag:s18] =	ssyncset.done $0x0  }
0x3a: {  	[sflag:s18] =	ssyncadd.s32 $0xFFFFD800  }
0x3b: {  	[tilespmem:s14], [sflag:$0x1] =	stream.indirect.gather [hbm4b:s0+s16], $0x80, s23, s16, $0xb8;
	[tilespmem:$0x1FEA0] =	vst v63  }
.LBB2_12:
0x3c: {  	s21 =	sadd.s32 $0x1, s21  }
0x3d: {  	p1 =	sne.s32 s21, $0x7D  }
.Ltmp4:
0x3e: {  	_ = 	snop;
	(pc) =	sbr.rel @!p1 .LBB2_13-.Ltmp4, $2  }
0x3f: {  	_ =	sdelay $0x2  }
0x40: {  	s23 =	sadd.s32 $0x50, s23;
	s22 =	sadd.s32 $0x50, s22  }
.LBB2_6:
0x41: {  	s24 =	sand.u32 $0x1, s21  }
0x42: {  	p1 =	seq.s32 s24, $0x1  }
.Ltmp5:
0x43: {  	_ = 	snop;
	(pc) =	sbr.rel @p1 .LBB2_11-.Ltmp5, $1  }
0x44: {  	_ =	sdelay $0x3  }
0x45: {  	p1 =	seq.s32 s21, $0x0  }
.Ltmp6:
0x46: {  	_ = 	snop;
	(pc) =	sbr.rel @p1 .LBB2_10-.Ltmp6, $4  }
0x47: {  	_ =	swait.ge [sflag:s20], $0x2800  }
0x48: {  	[sflag:s20] =	ssyncset.done $0x0  }
0x49: {  	[sflag:s20] =	ssyncadd.s32 $0xFFFFD800  }
0x4a: {  	[spmem:s3] =	stream.indirect.scatter.add.f32 [tilespmem:s14], [sflag:$0x3], $0x80, s22, s16, $0xb8;
	[tilespmem:$0x1FEA0] =	vst v63  }
0x4b: {  	p1 =	seq.s32 s21, $0x7C  }
.Ltmp7:
0x4c: {  	_ = 	snop;
	(pc) =	sbr.rel @p1 .LBB2_13-.Ltmp7, $1  }
0x4d: {  	_ =	sdelay $0x3  }
0x4e: {  	_ =	swait.ge [sflag:s19], $0x2800  }
0x4f: {  	[sflag:s19] =	ssyncset.done $0x0  }
0x50: {  	[sflag:s19] =	ssyncadd.s32 $0xFFFFD800  }
.LBB2_10:
.Ltmp8:
0x51: {  	(pc) =	sbr.rel .LBB2_12-.Ltmp8, $2  }
0x52: {  	_ =	sdelay $0x2  }
0x53: {  	[tilespmem:s17], [sflag:$0x2] =	stream.indirect.gather [hbm4b:s0+s16], $0x80, s23, s16, $0xb8;
	[tilespmem:$0x1FEA0] =	vst v63  }
.LBB2_13:
0x54: {  	_ =	swait.ge [sflag:s19], $0x2800  }
0x55: {  	[sflag:s19] =	ssyncset.done $0x0  }
0x56: {  	[sflag:s19] =	ssyncadd.s32 $0xFFFFD800  }
0x57: {  	_ =	swait.ge [sflag:s18], $0x2800  }
.Ltmp9:
0x58: {  	s21 =	sshll.u32 s2, $0x6;
	[sflag:s18] =	ssyncset.done $0x0;
	(pc) =	sbr.rel @!p0 .LBB2_15-.Ltmp9, $4  }
0x59: {  	s22 =	sshrl.u32 s12, $0x3;
	s23 =	sshrl.u32 s11, $0x3;
	[sflag:s18] =	ssyncadd.s32 $0xFFFFD800  }
0x5a: {  	s22 =	sadd.s32 s5, s22;
	s21 =	sor.u32 $0x1C05, s21;
	[bflag:$0x0] =	sbarrier.arrive $0xFFFF  }
0x5b: {  	[hbm:s22], [sflag:s21] =	dma.local [spmem:s23], $0x500  }
0x5c: {  	s24 =	smov.u32 s11;
	s22 =	sadd.s32 $0xFFFFFFFF, s6;
	s23 =	sadd.s32 $0x2800, s12  }
.LBB2_14:
0x5d: {  	_ =	swait.ge [sflag:s7], $0x500  }
0x5e: {  	s24 =	sadd.s32 $0x2800, s24;
	s25 =	sshrl.u32 s23, $0x3;
	p0 =	sne.s32 s22, $0x1  }
.Ltmp10:
0x5f: {  	s26 =	sshrl.u32 s24, $0x3;
	[sflag:s7] =	ssyncset.done $0x0;
	(pc) =	sbr.rel @p0 .LBB2_14-.Ltmp10, $4  }
0x60: {  	s25 =	sadd.s32 s5, s25;
	[sflag:s7] =	ssyncadd.s32 $0xFFFFFB00  }
0x61: {  	[hbm:s25], [sflag:s21] =	dma.local [spmem:s26], $0x500  }
0x62: {  	s22 =	sadd.s32 $0xFFFFFFFF, s22  }
0x63: {  	s23 =	sadd.s32 $0x2800, s23  }
.LBB2_15:
0x64: {  	s4 =	sadd.s32 $0x1, s4  }
0x65: {  	p0 =	sne.s32 s4, s10  }
.Ltmp11:
0x66: {  	_ = 	snop;
	(pc) =	sbr.rel @p0 .LBB2_1-.Ltmp11, $4  }
0x67: {  	_ = 	snop  }
0x68: {  	_ =	swait.ge [sflag:s7], $0x500  }
0x69: {  	[sflag:s7] =	ssyncset.done $0x0  }
0x6a: {  	[sflag:s7] =	ssyncadd.s32 $0xFFFFFB00  }
0x6b: {  	_ =	sfence.sel $0x180000  }
0x6c: {  	[bflag:$0x0] =	sbarrier.arrive $0xFFFF  }
0x6d: {  	p0 =	sne.s32 s2, $0x0;
	_ =	strace $0x90000047  }
0x6e: {  	s0 =	sadd.s32 @!p0 $0x100000, s1;
	[bflag:$0x2] =	sbarrier.arrive $0xFFFF  }
0x6f: {  	[sflag:s0] =	ssyncadd.tile.s32 @!p0 $0x1;
	_ =	shalt  }
.Lfunc_end2:
_tile_overlayer_lowered:
.L_overlay_start_2:
0x70: {  	(tag) =	ssettag $0x2  }
0x71: {  	s0 =	rddreg [dreg:$0x0];
	s2 =	stileid.u32  }
0x72: {  	s1 =	rddreg [dreg:$0x1];
	p0 =	sne.s32 s2, $0x0  }
0x73: {  	s3 =	rddreg [dreg:$0x2];
	[bflag:$0x3] =	sbarrier.arrive $0xFFFF;
	s2 =	simm.s32 @!p0 $0x1C05  }
0x74: {  	[timem:s3], [sflag:s2] =	dma.local @!p0 [hbm:s0], s1  }
0x75: {  	s0 =	simm.s32 @!p0 $0x5  }
0x76: {  	_ =	swait.ge @!p0 [sflag:s0], s1  }
0x77: {  	s1 =	ssub.s32 @!p0 $0x0, s1;
	[sflag:s0] =	ssyncset.done @!p0 $0x0  }
0x78: {  	[sflag:s0] =	ssyncadd.s32 @!p0 s1  }
0x79: {  	[bflag:$0x3] =	sbarrier.arrive $0xFFFF  }
0x7a: {  	_ =	shalt  }

// kernel: kernel.9.cloned.1.call-start
scs
__scs_entry_jumppad:
0x0: {  	(pc) =	sbr.rel $0x88, $3  }
0x1: {  	(tag) =	ssettag $0x0;
	lr =	simm.s32 $0x1  }
0x2: {  	[smem:$0x3F9B] =	sst lr;
	_ =	strace $0xD0000000  }
0x3: {  	_ = 	snop  }
0x4: {  	_ = 	snop  }
0x5: {  	_ = 	snop  }
0x6: {  	_ = 	snop  }
0x7: {  	_ = 	snop  }
__scs_overlays_trampoline_lowered:
0x8: {  	[smem:$0x3FAA] =	sst s0  }
0x9: {  	[smem:$0x3FAB] =	sst s1  }
0xa: {  	[smem:$0x3FAC] =	sst s2  }
0xb: {  	[smem:$0x3FAD] =	sst s3  }
0xc: {  	[smem:$0x3FAE] =	sst s4  }
0xd: {  	[smem:$0x3FAF] =	sst s5  }
0xe: {  	[smem:$0x3FB0] =	sst s6  }
0xf: {  	[smem:$0x3FB1] =	sst s7  }
0x10: {  	[smem:$0x3FB2] =	sst s8  }
0x11: {  	[smem:$0x3FB3] =	sst s9;
	s0 =	simm.s32 @!p0 $0x0  }
0x12: {  	s1 =	sld [smem:$0x3F99];
	s0 =	simm.s32 @p0 $0x1  }
0x13: {  	[smem:$0x3FB4] =	sst s0;
	s0 =	simm.s32 @!p1 $0x0  }
0x14: {  	s2 =	sld [smem:$0x3F98];
	s0 =	simm.s32 @p1 $0x1  }
0x15: {  	[smem:$0x3FB5] =	sst s0;
	s0 =	simm.s32 @!p2 $0x0  }
0x16: {  	s3 =	sld [smem:$0x3FDB];
	s0 =	simm.s32 @p2 $0x1  }
0x17: {  	s4 =	simm.s32 $0x1BF5;
	[smem:$0x3FB7] =	sst s0  }
0x18: {  	s0 =	sld [smem:$0x3F9A];
	_ =	swait.ge [sflag:s4], $0x0  }
0x19: {  	s7 =	sld [smem:$0x3F9B]  }
0x1a: {  	s8 =	sadd.s32 $0xFFFFE003, lr  }
0x1b: {  	s9 =	sadd.s32 $0xFFFFFEF7, lr;
	s5 =	simm.s32 $0xFFFFFFFF;
	p2 =	slt.u32 s8, $0xFFFFF086  }
0x1c: {  	p1 =	slt.u32 s9, $0xF7A;
	s5 =	simm.s32 @!p2 $0x0  }
0x1d: {  	s5 =	simm.s32 @p1 $0x1;
	p0 =	seq.s32 s7, s2  }
0x1e: {  	s7 =	smul.u32 @!p0 $0xF7A, s2;
	p2 =	seq.s32 @!p0 s5, $0x0  }
0x1f: {  	s9 =	smul.u32 $0xF7A, s1;
	s8 =	simm.s32 @!p0 $0x1BF5;
	p2 =	por !p2, p0  }
0x20: {  	[sflag:s8] =	ssyncset.s32 @!p0 $0xFFFFF086;
	s6 =	sadd.s32 @!p0 s3, s7;
	s7 =	simm.s32 @!p0 $0x108  }
0x21: {  	s3 =	sadd.s32 s3, s9;
	s6 =	sadd.s32 @!p0 $0x88, s6;
	s7 =	simm.s32 @p2 $0x1082  }
0x22: {  	[simem:s7], [sflag:s8] =	dma.local @!p0 [hbm:s6], $0xF7A  }
0x23: {  	s9 =	sor.u32 $0xD0000000, s2;
	s6 =	simm.s32 $0x108;
	_ =	swait.ge @!p0 [sflag:s8], $0x0  }
0x24: {  	s3 =	sadd.s32 $0x88, s3;
	s6 =	simm.s32 @!p1 $0x1082;
	[sflag:s4] =	ssyncset.s32 $0xFFFFF086  }
0x25: {  	[simem:s6], [sflag:s4] =	dma.local [hbm:s3], $0xF7A  }
0x26: {  	[smem:$0x3F9B] =	sst s1;
	(tag) =	ssettag s2;
	_ =	strace s9  }
0x27: {  	s1 =	sld [smem:$0x3FAB]  }
0x28: {  	s2 =	sld [smem:$0x3FAC]  }
0x29: {  	s4 =	sld [smem:$0x3FAE]  }
0x2a: {  	p0 =	seq.s32 s5, $0x0;
	s5 =	sld [smem:$0x3FAF]  }
0x2b: {  	s6 =	sld [smem:$0x3FB0]  }
0x2c: {  	s7 =	sld [smem:$0x3FB1]  }
0x2d: {  	s3 =	simm.s32 $0x108;
	s8 =	sld [smem:$0x3FB2]  }
0x2e: {  	s3 =	simm.s32 @!p0 $0x1082;
	s9 =	sld [smem:$0x3FB3]  }
0x2f: {  	lr =	sadd.s32 s0, s3;
	s0 =	sld [smem:$0x3FAA]  }
0x30: {  	s3 =	sld [smem:$0x3FAD]  }
0x31: {  	[smem:$0x3FB6] =	sst s10  }
0x32: {  	s10 =	sld [smem:$0x3FB4];
	_ =	sdelay $0x3  }
0x33: {  	p0 =	seq.s32 s10, $0x1;
	s10 =	sld [smem:$0x3FB6];
	_ =	sdelay $0x3  }
0x34: {  	[smem:$0x3FB6] =	sst s10  }
0x35: {  	s10 =	sld [smem:$0x3FB5];
	_ =	sdelay $0x3  }
0x36: {  	p1 =	seq.s32 s10, $0x1;
	s10 =	sld [smem:$0x3FB6];
	_ =	sdelay $0x3  }
0x37: {  	[smem:$0x3FB6] =	sst s10  }
0x38: {  	s10 =	sld [smem:$0x3FB7]  }
0x39: {  	_ = 	snop;
	(pc) =	sbr.ind lr, $3  }
0x3a: {  	_ = 	snop  }
0x3b: {  	_ = 	snop  }
0x3c: {  	p2 =	seq.s32 s10, $0x1;
	s10 =	sld [smem:$0x3FB6]  }
0x3d: {  	_ =	shalt  }
0x3e: {  	_ =	shalt  }
0x3f: {  	_ =	shalt  }
0x40: {  	_ =	shalt  }
0x41: {  	_ =	shalt  }
0x42: {  	_ =	shalt  }
0x43: {  	_ =	shalt  }
0x44: {  	_ =	shalt  }
0x45: {  	_ =	shalt  }
0x46: {  	_ =	shalt  }
0x47: {  	_ =	shalt  }
0x48: {  	_ =	shalt  }
0x49: {  	_ =	shalt  }
0x4a: {  	_ =	shalt  }
0x4b: {  	_ =	shalt  }
0x4c: {  	_ =	shalt  }
0x4d: {  	_ =	shalt  }
0x4e: {  	_ =	shalt  }
0x4f: {  	_ =	shalt  }
0x50: {  	_ =	shalt  }
0x51: {  	_ =	shalt  }
0x52: {  	_ =	shalt  }
0x53: {  	_ =	shalt  }
0x54: {  	_ =	shalt  }
0x55: {  	_ =	shalt  }
0x56: {  	_ =	shalt  }
0x57: {  	_ =	shalt  }
0x58: {  	_ =	shalt  }
0x59: {  	_ =	shalt  }
0x5a: {  	_ =	shalt  }
0x5b: {  	_ =	shalt  }
0x5c: {  	_ =	shalt  }
0x5d: {  	_ =	shalt  }
0x5e: {  	_ =	shalt  }
0x5f: {  	_ =	shalt  }
0x60: {  	_ =	shalt  }
0x61: {  	_ =	shalt  }
0x62: {  	_ =	shalt  }
0x63: {  	_ =	shalt  }
0x64: {  	_ =	shalt  }
0x65: {  	_ =	shalt  }
0x66: {  	_ =	shalt  }
0x67: {  	_ =	shalt  }
0x68: {  	_ =	shalt  }
0x69: {  	_ =	shalt  }
0x6a: {  	_ =	shalt  }
0x6b: {  	_ =	shalt  }
0x6c: {  	_ =	shalt  }
0x6d: {  	_ =	shalt  }
0x6e: {  	_ =	shalt  }
0x6f: {  	_ =	shalt  }
0x70: {  	_ =	shalt  }
0x71: {  	_ =	shalt  }
0x72: {  	_ =	shalt  }
0x73: {  	_ =	shalt  }
0x74: {  	_ =	shalt  }
0x75: {  	_ =	shalt  }
0x76: {  	_ =	shalt  }
0x77: {  	_ =	shalt  }
0x78: {  	_ =	shalt  }
0x79: {  	_ =	shalt  }
0x7a: {  	_ =	shalt  }
0x7b: {  	_ =	shalt  }
0x7c: {  	_ =	shalt  }
0x7d: {  	_ =	shalt  }
0x7e: {  	_ =	shalt  }
0x7f: {  	_ =	shalt  }
0x80: {  	_ =	shalt  }
0x81: {  	_ =	shalt  }
0x82: {  	_ =	shalt  }
0x83: {  	_ =	shalt  }
0x84: {  	_ =	shalt  }
0x85: {  	_ =	shalt  }
0x86: {  	_ =	shalt  }
0x87: {  	_ =	shalt  }
.Lfunc_end0:
.L_simem_size_0:
called_computation.1_lowered:
.L_overlay_start_0:
0x88: {  	s2 =	sld [smem:$0x3FD9]  }
0x89: {  	s3 =	sld [smem:$0x3FFE];
	_ =	sdelay $0x1  }
0x8a: {  	s1 =	srdreg.scid  }
0x8b: {  	s0 =	sand.u32 $0x1, s1  }
0x8c: {  	s17 =	sshll.u32 s0, $0xA;
	s2 =	sadd.s32 s3, s2  }
0x8d: {  	s2 =	sadd.s32 s2, s17  }
0x8e: {  	[smem:$0x3FC2] =	sst s2  }
0x8f: {  	_ = 	snop  }
0x90: {  	s2 =	sld [smem:$0x3FD0];
	(tm) =	ssettm $0x1  }
0x91: {  	s18 =	sld [smem:$0x3FFB];
	_ =	sdelay $0x3  }
0x92: {  	_ =	strace s18  }
0x93: {  	s3 =	sld [smem:$0x3FFC];
	_ =	sdelay $0x3  }
0x94: {  	_ =	strace s3  }
0x95: {  	s3 =	sld [smem:$0x3FFD];
	_ =	sdelay $0x3  }
0x96: {  	_ =	strace s3  }
0x97: {  	_ =	strace $0x8FFFFFFF  }
0x98: {  	s19 =	sld [smem:$0x3FDB];
	_ =	sdelay $0x1  }
0x99: {  	s4 =	simm.s32 $_scs_section_size  }
0x9a: {  	s5 =	simm.s32 $_size__tile_overlayer_lowered;
	s6 =	simm.s32 $_tile_overlayer_lowered  }
0x9b: {  	s22 =	simm.s32 $0x1BFF;
	s21 =	sshll.u32 s6, $0x1;
	s3 =	sadd.s32 s4, s19  }
0x9c: {  	s7 =	simm.s32 $0x0;
	s20 =	sshll.u32 s5, $0x1;
	s5 =	sadd.s32 s21, s3  }
0x9d: {  	[timem:s7], [sflag:s22] =	dma.local [hbm:s5], s20  }
0x9e: {  	_ =	swait.ge [sflag:s22], s20  }
0x9f: {  	s4 =	ssub.s32 $0x0, s20;
	[sflag:s22] =	ssyncset.done $0x0  }
0xa0: {  	[sflag:s22] =	ssyncadd.s32 s4;
	_ =	sdelay $0x1  }
0xa1: {  	s23 =	simm.s32 $0x1B8B  }
0xa2: {  	_ =	swait.ge [sflag:s23], $0x1  }
0xa3: {  	[sflag:s23] =	ssyncset.done $0x0  }
0xa4: {  	s25 =	simm.s32 $0x1B8E;
	s24 =	sld [smem:$0x3FFE];
	[sflag:s23] =	ssyncadd.s32 $0xFFFFFFFF  }
0xa5: {  	s26 =	simm.s32 $execute0_lowered;
	[smem:$0x3FD2] =	sst s25  }
0xa6: {  	s5 =	sshll.u32 s26, $0x1;
	_ =	strace $0x80000049;
	[dreg:$0x1] =	wrdreg $0xFFFFFFFF  }
0xa7: {  	s28 =	simm.s32 $_size_execute0_lowered;
	s3 =	sadd.s32 s3, s5;
	[dreg:$0x0] =	wrdreg $0x0  }
0xa8: {  	s5 =	sshll.u32 s28, $0x1;
	[dreg:$0x2] =	wrdreg s3  }
0xa9: {  	[dreg:$0x3] =	wrdreg s5  }
0xaa: {  	[dreg:$0x4] =	wrdreg $0xC0  }
0xab: {  	_ =	task [dreg:s7], $0x5FFFF  }
0xac: {  	[dreg:$0x1] =	wrdreg $0xFFFFFFFF  }
0xad: {  	[dreg:$0x0] =	wrdreg $0x60  }
0xae: {  	[dreg:$0x2] =	wrdreg s2  }
0xaf: {  	[dreg:$0x3] =	wrdreg s24  }
0xb0: {  	[dreg:$0x4] =	wrdreg $0x8A200  }
0xb1: {  	[dreg:$0x5] =	wrdreg $0x126600  }
0xb2: {  	[dreg:$0x6] =	wrdreg $0x9  }
0xb3: {  	_ =	task.clear_ibuf [dreg:s7], $0x7FFFF;
	_ =	strace $0x90000049  }
0xb4: {  	s29 =	simm.s32 $0x9;
	_ =	strace $0x8000004B  }
0xb5: {  	_ =	swait.ge [sflag:s29], $0x1  }
0xb6: {  	[sflag:s29] =	ssyncadd.s32 $0xFFFFFFFF  }
0xb7: {  	_ =	strace $0x9000004B  }
0xb8: {  	_ =	sfence  }
0xb9: {  	s30 =	sld [smem:$0x0];
	_ =	sdelay $0x2  }
0xba: {  	s31 =	sshll.u32 s1, $0xD;
	s1 =	sshrl.u32 s1, $0x2  }
0xbb: {  	s3 =	sand.u32 $0x4000, s31;
	s1 =	sadd.s32 s1, s30  }
0xbc: {  	s0 =	sor.u32 s3, s0;
	s1 =	sshll.u32 s1, $0x11  }
0xbd: {  	s0 =	sor.u32 s1, s0  }
0xbe: {  	s0 =	sadd.s32 $0x8F2B, s0  }
0xbf: {  	[sflag:s0] =	ssyncadd.remote.s32 $0x1  }
0xc0: {  	_ =	sfence.sel $0xFFFF  }
0xc1: {  	[dreg:$0x0] =	wrdreg $0xFFFFFFFF;
	(pc) =	sbr.abs _section_cstart, $3  }
0xc2: {  	[dreg:$0x1] =	wrdreg $0xFFFFFFFF  }
0xc3: {  	_ =	task.clear_ibuf [dreg:s7], $0x2FFFF;
	_ =	strace $0x9FFFFFFF  }
0xc4: {  	(tm) =	ssettm $0x7FFFFFFF  }
0xc5: {  	_ =	shalt  }
tec
execute0_lowered:
.L_overlay_start_1:
0x0: {  	(tag) =	ssettag $0x1  }
0x1: {  	s0 =	rddreg [dreg:$0x0]  }
0x2: {  	s6 =	rddreg [dreg:$0x1]  }
0x3: {  	s3 =	rddreg [dreg:$0x2]  }
0x4: {  	s1 =	srdreg.scid;
	s4 =	rddreg [dreg:$0x3]  }
0x5: {  	s2 =	stileid.u32;
	s5 =	simm.s32 $0x0;
	s16 =	simm.s32 $0x7620  }
0x6: {  	s17 =	simm.s32 $0x2710;
	s19 =	simm.s32 $0x4E20;
	s20 =	simm.s32 $0x2  }
0x7: {  	s21 =	simm.s32 $0x50;
	s22 =	simm.s32 $0x6220;
	s23 =	simm.s32 $0x3  }
0x8: {  	s24 =	simm.s32 $0x4;
	s25 =	simm.s32 $0x1;
	s26 =	simm.s32 $0x0  }
0x9: {  	s7 =	sand.u32 $0x1, s1;
	[smem:$0x7FF] =	sst s5;
	s13 =	smul.u32 $0x28000, s2  }
0xa: {  	p0 =	seq.s32 s2, $0xF;
	s10 =	smul.u32 $0xA000, s2;
	s18 =	sshll.u32 s2, $0x6  }
0xb: {  	s8 =	sshll.u32 s7, $0x4;
	_ =	strace $0x8000004A;
	s9 =	ssub.s32 $0x2, s7  }
0xc: {  	s15 =	smul.u32 $0x9C400, s7;
	s7 =	simm.s32 $0x5;
	s18 =	sor.u32 $0x1C05, s18  }
0xd: {  	s8 =	sor.u32 s2, s8;
	s31 =	sshrl.u32 s9, $0x1;
	s14 =	sshrl.u32 s13, $0x2  }
0xe: {  	s8 =	smul.u32 $0x4E2, s8;
	s12 =	ssub.s32 s9, s31;
	s13 =	sadd.s32 s14, s3  }
0xf: {  	s14 =	sadd.s32 s14, s4;
	s15 =	sadd.s32 s10, s15;
	s12 =	smax.u32 s12, $0x1  }
0x10: {  	s11 =	sadd.s32 s8, s6;
	s6 =	sadd.s32 $0x14600, s6;
	s8 =	simm.s32 $0x5  }
0x11: {  	v0 =	vimm.f32 $0.0e+00;
	s8 =	simm.s32 @!p0 $0x8;
	s9 =	sadd.s32 $0xA800, s11;
	s11 =	sadd.s32 $0xA00, s11  }
.LBB2_1:
0x12: {  	s29 =	simm.s32 $0x100;
	s28 =	simm.s32 $0x0  }
.LBB2_2:
0x13: {  	p0 =	sne.s32 s29, $0x4F00;
	[tilespmem:s28+$0x7650] =	vst v0;
	s30 =	smov.u32 s29;
	s29 =	sadd.s32 $0x100, s29  }
.Ltmp0:
0x14: {  	[tilespmem:s28+$0x7640] =	vst v0;
	(pc) =	sbr.rel @p0 .LBB2_2-.Ltmp0, $3  }
0x15: {  	[tilespmem:s28+$0x7620] =	vst v0  }
0x16: {  	[tilespmem:s28+$0x7630] =	vst v0;
	_ =	sdelay $0x1  }
0x17: {  	s28 =	sshra.s32 s30, $0x2  }
0x18: {  	[tilespmem:s28+$0x7650] =	vst v0  }
0x19: {  	[tilespmem:s28+$0x7640] =	vst v0;
	p0 =	sne.s32 s8, $0x1  }
.Ltmp1:
0x1a: {  	[tilespmem:s28+$0x7620] =	vst v0;
	(pc) =	sbr.rel @!p0 .LBB2_5-.Ltmp1, $4  }
0x1b: {  	[tilespmem:s28+$0x7630] =	vst v0  }
0x1c: {  	[spmem:s13] =	stream.linear.scatter [tilespmem:s16], [sflag:$0x5], $0x1400, $0x38;
	[tilespmem:$0x1C2A0] =	vst v63  }
0x1d: {  	_ =	swait.ge [sflag:s7], $0x1400  }
0x1e: {  	s28 =	sadd.s32 $0xFFFFFFFF, s8;
	s29 =	smov.u32 s13;
	[sflag:s7] =	ssyncset.done $0x0  }
.LBB2_4:
0x1f: {  	p1 =	sne.s32 s28, $0x1;
	[sflag:s7] =	ssyncadd.s32 $0xFFFFEC00;
	s29 =	sadd.s32 $0x1400, s29  }
.Ltmp2:
0x20: {  	s28 =	sadd.s32 $0xFFFFFFFF, s28;
	(pc) =	sbr.rel @p1 .LBB2_4-.Ltmp2, $4  }
0x21: {  	_ = 	snop  }
0x22: {  	[spmem:s29] =	stream.linear.scatter [tilespmem:s16], [sflag:$0x5], $0x1400, $0x38;
	[tilespmem:$0x1C2A0] =	vst v63  }
0x23: {  	_ =	swait.ge [sflag:s7], $0x1400  }
0x24: {  	[sflag:s7] =	ssyncset.done $0x0  }
.LBB2_5:
0x25: {  	[sflag:s7] =	ssyncadd.s32 $0xFFFFEC00  }
0x26: {  	[tilespmem:s5], [sflag:$0x5] =	stream.linear.gather [hbm4b:s9+s5], $0x2710, $0x38;
	[tilespmem:$0x1C2A0] =	vst v63  }
0x27: {  	_ =	swait.ge [sflag:s7], $0x2710  }
0x28: {  	[sflag:s7] =	ssyncset.done $0x0  }
0x29: {  	[sflag:s7] =	ssyncadd.s32 $0xFFFFD8F0  }
0x2a: {  	[tilespmem:s17], [sflag:$0x5] =	stream.linear.gather [hbm4b:s11+s5], $0x2710, $0x38;
	[tilespmem:$0x1C2A0] =	vst v63  }
.Ltmp3:
0x2b: {  	_ =	swait.ge [sflag:s7], $0x2710;
	(pc) =	sbr.rel @!p0 .LBB2_7-.Ltmp3, $4  }
0x2c: {  	s28 =	sshrl.u32 s10, $0x3;
	s29 =	sshrl.u32 s14, $0x3;
	[sflag:s7] =	ssyncset.done $0x0  }
0x2d: {  	s30 =	smov.u32 s14;
	s28 =	sadd.s32 s0, s28;
	[sflag:s7] =	ssyncadd.s32 $0xFFFFD8F0  }
0x2e: {  	[spmem:s29], [sflag:s18] =	dma.local [hbm:s28], $0x280  }
0x2f: {  	s28 =	sadd.s32 $0xFFFFFFFF, s8;
	s29 =	sadd.s32 $0x1400, s10;
	_ =	swait.ge [sflag:s7], $0x280  }
.LBB2_6:
0x30: {  	s31 =	sshrl.u32 s29, $0x3;
	[sflag:s7] =	ssyncset.done $0x0  }
0x31: {  	s30 =	sadd.s32 $0x1400, s30;
	p1 =	sne.s32 s28, $0x1;
	s31 =	sadd.s32 s0, s31  }
.Ltmp4:
0x32: {  	s1 =	sshrl.u32 s30, $0x3;
	[sflag:s7] =	ssyncadd.s32 $0xFFFFFD80;
	(pc) =	sbr.rel @p1 .LBB2_6-.Ltmp4, $3  }
0x33: {  	[spmem:s1], [sflag:s18] =	dma.local [hbm:s31], $0x280  }
0x34: {  	s28 =	sadd.s32 $0xFFFFFFFF, s28;
	_ =	sdelay $0x1  }
0x35: {  	s29 =	sadd.s32 $0x1400, s29;
	_ =	swait.ge [sflag:s7], $0x280  }
.LBB2_7:
.Ltmp5:
0x36: {  	(pc) =	sbr.rel .LBB2_8-.Ltmp5, $4  }
0x37: {  	[sflag:s7] =	ssyncset.done $0x0  }
0x38: {  	s28 =	simm.s32 $0x50;
	[sflag:s7] =	ssyncadd.s32 $0xFFFFFD80  }
0x39: {  	s29 =	simm.s32 $0x0;
	s30 =	simm.s32 $0x2710;
	[bflag:$0x0] =	sbarrier.arrive $0xFFFF  }
0x3a: {  	[tilespmem:s19], [sflag:$0x1] =	stream.indirect.gather [spmem:s4], $0x40, s29, s28, $0xb8;
	[tilespmem:$0x1C2A0] =	vst v63  }
.LBB2_13:
0x3b: {  	_ =	swait.ge [sflag:s20], $0x1400  }
0x3c: {  	[sflag:s20] =	ssyncset.done $0x0  }
0x3d: {  	[sflag:s20] =	ssyncadd.s32 $0xFFFFEC00  }
0x3e: {  	[spmem:s3] =	stream.indirect.scatter.add.f32 [tilespmem:s22], [sflag:$0x4], $0x40, s30, s21, $0xb8;
	[tilespmem:$0x1C2A0] =	vst v63  }
0x3f: {  	_ =	swait.ge [sflag:s23], $0x1400  }
0x40: {  	[sflag:s23] =	ssyncset.done $0x0  }
0x41: {  	[sflag:s23] =	ssyncadd.s32 $0xFFFFEC00  }
0x42: {  	[tilespmem:s19], [sflag:$0x1] =	stream.indirect.gather [spmem:s4], $0x40, s28, s21, $0xb8;
	[tilespmem:$0x1C2A0] =	vst v63  }
.LBB2_14:
0x43: {  	s29 =	sadd.s32 $0x1, s29  }
0x44: {  	p1 =	sne.s32 s29, $0x7D  }
.Ltmp6:
0x45: {  	_ = 	snop;
	(pc) =	sbr.rel @!p1 .LBB2_15-.Ltmp6, $2  }
0x46: {  	_ =	sdelay $0x2  }
0x47: {  	s28 =	sadd.s32 $0x50, s28;
	s30 =	sadd.s32 $0x50, s30  }
.LBB2_8:
0x48: {  	s1 =	sand.u32 $0x1, s29  }
0x49: {  	p1 =	seq.s32 s1, $0x1  }
.Ltmp7:
0x4a: {  	_ = 	snop;
	(pc) =	sbr.rel @p1 .LBB2_13-.Ltmp7, $1  }
0x4b: {  	_ =	sdelay $0x3  }
0x4c: {  	p1 =	seq.s32 s29, $0x0  }
.Ltmp8:
0x4d: {  	_ = 	snop;
	(pc) =	sbr.rel @p1 .LBB2_12-.Ltmp8, $4  }
0x4e: {  	_ =	swait.ge [sflag:s25], $0x1400  }
0x4f: {  	[sflag:s25] =	ssyncset.done $0x0  }
0x50: {  	[sflag:s25] =	ssyncadd.s32 $0xFFFFEC00  }
0x51: {  	[spmem:s3] =	stream.indirect.scatter.add.f32 [tilespmem:s19], [sflag:$0x3], $0x40, s30, s21, $0xb8;
	[tilespmem:$0x1C2A0] =	vst v63  }
0x52: {  	p1 =	seq.s32 s29, $0x7C  }
.Ltmp9:
0x53: {  	_ = 	snop;
	(pc) =	sbr.rel @p1 .LBB2_15-.Ltmp9, $1  }
0x54: {  	_ =	sdelay $0x3  }
0x55: {  	_ =	swait.ge [sflag:s24], $0x1400  }
0x56: {  	[sflag:s24] =	ssyncset.done $0x0  }
0x57: {  	[sflag:s24] =	ssyncadd.s32 $0xFFFFEC00  }
.LBB2_12:
.Ltmp10:
0x58: {  	(pc) =	sbr.rel .LBB2_14-.Ltmp10, $2  }
0x59: {  	_ =	sdelay $0x2  }
0x5a: {  	[tilespmem:s22], [sflag:$0x2] =	stream.indirect.gather [spmem:s4], $0x40, s28, s21, $0xb8;
	[tilespmem:$0x1C2A0] =	vst v63  }
.LBB2_15:
0x5b: {  	_ =	swait.ge [sflag:s24], $0x1400  }
0x5c: {  	[sflag:s24] =	ssyncset.done $0x0  }
0x5d: {  	[sflag:s24] =	ssyncadd.s32 $0xFFFFEC00  }
0x5e: {  	_ =	swait.ge [sflag:s23], $0x1400  }
.Ltmp11:
0x5f: {  	[sflag:s23] =	ssyncset.done $0x0;
	(pc) =	sbr.rel @!p0 .LBB2_17-.Ltmp11, $4  }
0x60: {  	s1 =	sshrl.u32 s15, $0x3;
	s28 =	sshrl.u32 s13, $0x3;
	[sflag:s23] =	ssyncadd.s32 $0xFFFFEC00  }
0x61: {  	s29 =	sadd.s32 $0x1400, s15;
	s1 =	sadd.s32 s6, s1;
	[bflag:$0x0] =	sbarrier.arrive $0xFFFF  }
0x62: {  	[hbm:s1], [sflag:s18] =	dma.local [spmem:s28], $0x280  }
0x63: {  	s30 =	smov.u32 s13;
	s28 =	sadd.s32 $0xFFFFFFFF, s8;
	_ =	swait.ge [sflag:s7], $0x280  }
.LBB2_16:
0x64: {  	s1 =	sshrl.u32 s29, $0x3;
	[sflag:s7] =	ssyncset.done $0x0  }
0x65: {  	s30 =	sadd.s32 $0x1400, s30;
	p0 =	sne.s32 s28, $0x1;
	s1 =	sadd.s32 s6, s1  }
.Ltmp12:
0x66: {  	s31 =	sshrl.u32 s30, $0x3;
	[sflag:s7] =	ssyncadd.s32 $0xFFFFFD80;
	(pc) =	sbr.rel @p0 .LBB2_16-.Ltmp12, $3  }
0x67: {  	[hbm:s1], [sflag:s18] =	dma.local [spmem:s31], $0x280  }
0x68: {  	s28 =	sadd.s32 $0xFFFFFFFF, s28;
	_ =	sdelay $0x1  }
0x69: {  	s29 =	sadd.s32 $0x1400, s29;
	_ =	swait.ge [sflag:s7], $0x280  }
.LBB2_17:
0x6a: {  	s26 =	sadd.s32 $0x1, s26  }
0x6b: {  	p0 =	sne.s32 s26, s12  }
.Ltmp13:
0x6c: {  	_ = 	snop;
	(pc) =	sbr.rel @p0 .LBB2_1-.Ltmp13, $3  }
0x6d: {  	_ =	sdelay $0x1  }
0x6e: {  	[sflag:s7] =	ssyncset.done $0x0  }
0x6f: {  	[sflag:s7] =	ssyncadd.s32 $0xFFFFFD80  }
0x70: {  	_ =	sfence.sel $0x180000  }
0x71: {  	[bflag:$0x0] =	sbarrier.arrive $0xFFFF  }
0x72: {  	_ =	strace $0x9000004A  }
0x73: {  	[bflag:$0x2] =	sbarrier.arrive $0xFFFF  }
0x74: {  	p0 =	sne.s32 s2, $0x0;
	s0 =	rddreg [dreg:$0x4]  }
0x75: {  	s0 =	sadd.s32 @!p0 $0x100000, s0  }
0x76: {  	[sflag:s0] =	ssyncadd.tile.s32 @!p0 $0x1;
	_ =	shalt  }
.Lfunc_end2:
_tile_overlayer_lowered:
.L_overlay_start_2:
0x77: {  	(tag) =	ssettag $0x2  }
0x78: {  	s0 =	rddreg [dreg:$0x0];
	s2 =	stileid.u32  }
0x79: {  	s1 =	rddreg [dreg:$0x1];
	p0 =	sne.s32 s2, $0x0  }
0x7a: {  	s3 =	rddreg [dreg:$0x2];
	[bflag:$0x3] =	sbarrier.arrive $0xFFFF;
	s2 =	simm.s32 @!p0 $0x1C05  }
0x7b: {  	[timem:s3], [sflag:s2] =	dma.local @!p0 [hbm:s0], s1  }
0x7c: {  	s0 =	simm.s32 @!p0 $0x5  }
0x7d: {  	_ =	swait.ge @!p0 [sflag:s0], s1  }
0x7e: {  	s1 =	ssub.s32 @!p0 $0x0, s1;
	[sflag:s0] =	ssyncset.done @!p0 $0x0  }
0x7f: {  	[sflag:s0] =	ssyncadd.s32 @!p0 s1  }
0x80: {  	[bflag:$0x3] =	sbarrier.arrive $0xFFFF  }
0x81: {  	_ =	shalt  }

</sc_bundles>
